<compile_context>
chip_gen: v7x
topology: tpu7x:2x2x1
jax: 0.10.2.dev20260603
libtpu: 0.0.44.dev20260713+nightly
codegen_flags: <defaults>
</compile_context>

<pallas_src>
import functools

import jax
import jax.numpy as jnp
from jax import lax
from jax.experimental import pallas as pl
from jax.experimental.pallas import tpu as pltpu
from jax.experimental.pallas import tpu_sc as plsc

_D = 64
_B = 16384
_V = 100000
_LAMBDA = 0.001
_NC, _NS, _L = 2, 16, 16
_NW = _NC * _NS
_DPW = _D // _NW
_SCALE = _LAMBDA / _B

_T_OFF = (0, 33408, 66816)
_T_SZ = (33408, 33408, 33152)
_TAIL0 = 99968
_TAIL = 32
_TBUF = 33408
_NT = 3
_NU = _DPW * _NT

_mesh = plsc.VectorSubcoreMesh(core_axis_name="c", subcore_axis_name="s")


@functools.partial(
    pl.kernel,
    mesh=_mesh,
    out_type=jax.ShapeDtypeStruct((_NW * _L,), jnp.float32),
    compiler_params=pltpu.CompilerParams(
        use_tc_tiling_on_sc=True, needs_layout_passes=False),
    scratch_types=[
        pltpu.VMEM((_TBUF,), jnp.float32),
        pltpu.VMEM((_TBUF,), jnp.float32),
        pltpu.VMEM((_TAIL,), jnp.float32),
        pltpu.VMEM((_B,), jnp.float32),
        pltpu.VMEM((_B,), jnp.float32),
        pltpu.VMEM((_B,), jnp.int32),
        pltpu.VMEM((_L,), jnp.float32),
        pltpu.SemaphoreType.DMA,
        pltpu.SemaphoreType.DMA,
        pltpu.SemaphoreType.DMA,
    ],
)
def _center_loss_sc(ft_hbm, lab_hbm, ct_hbm, out_hbm,
                    crow_a, crow_b, tail_v, frow_0, frow_1, lab_v, out_v,
                    csem_a, csem_b, fsem):
    wid = lax.axis_index("s") * _NC + lax.axis_index("c")
    crows = (crow_a, crow_b)
    frows = (frow_0, frow_1)
    csems = (csem_a, csem_b)

    def crow_copy(u):
        d = wid * _DPW + u // _NT
        t = u % _NT
        return pltpu.async_copy(
            ct_hbm.at[d, pl.ds(_T_OFF[t], _T_SZ[t])],
            crows[u % 2].at[pl.ds(0, _T_SZ[t])], csems[u % 2])

    lab_cp = pltpu.async_copy(lab_hbm, lab_v, fsem)
    f0_cp = pltpu.async_copy(ft_hbm.at[wid * _DPW], frow_0, fsem)
    cps = {0: crow_copy(0)}
    lab_cp.wait()
    f0_cp.wait()

    accs = tuple(jnp.zeros((_L,), jnp.float32) for _ in range(4))
    f1_cp = None
    for u in range(_NU):
        cps[u].wait()
        if u + 1 < _NU:
            cps[u + 1] = crow_copy(u + 1)
        if u == _NT - 2:
            f1_cp = pltpu.async_copy(ft_hbm.at[wid * _DPW + 1], frow_1, fsem)
        if u == _NT:
            f1_cp.wait()
        if u % _NT == _NT - 1:
            d = wid * _DPW + u // _NT
            pltpu.sync_copy(ct_hbm.at[d, pl.ds(_TAIL0, _TAIL)], tail_v)

        t = u % _NT
        c0 = _T_OFF[t]
        sz = _T_SZ[t]
        crow = crows[u % 2]
        frow = frows[u // _NT]

        last = t == _NT - 1

        @plsc.parallel_loop(0, _B // _L, 4, unroll=2, carry=accs)
        def body(k, a, c0=c0, sz=sz, crow=crow, frow=frow, last=last):
            out = list(a)
            for j in range(4):
                base = (k + j) * _L
                idx = lab_v[pl.ds(base, _L)]
                f = frow[pl.ds(base, _L)]
                rel = idx - c0
                inb = plsc.bitcast(rel, jnp.uint32) < jnp.uint32(sz)
                c = plsc.load_gather(crow, [rel], mask=inb)
                df = jnp.where(inb, f - c, 0.0)
                acc_j = out[j] + df * df
                if last:
                    rel2 = idx - _TAIL0
                    inb2 = plsc.bitcast(rel2, jnp.uint32) < jnp.uint32(_TAIL)
                    c2 = plsc.load_gather(tail_v, [rel2], mask=inb2)
                    df2 = jnp.where(inb2, f - c2, 0.0)
                    acc_j = acc_j + df2 * df2
                out[j] = acc_j
            return tuple(out)

        accs = body

    acc = (accs[0] + accs[1]) + (accs[2] + accs[3])
    out_v[...] = acc * _SCALE
    pltpu.sync_copy(out_v, out_hbm.at[pl.ds(wid * _L, _L)])


def kernel(features, labels, centers):
    ft = features.T
    ct = centers.T
    lab = labels.astype(jnp.int32)
    partials = _center_loss_sc(ft, lab, ct)
    return jnp.sum(partials)

# --- scband reference (transcript-rebuilt; emitter-appended) ---
"""Pipeline reference for scband-center-loss-54838142435916 (READ-ONLY COPY).

The authoritative reference and input builder live on the scoring server;
editing this copy changes nothing except your own understanding.
"""

import jax, jax.numpy as jnp
import numpy as np

NUM_CLASSES = 100000
FEATURE_DIM = 64
BATCH = 16384
LAMBDA_C = 0.001


def _xavier_normal(key, shape):
    fan_in, fan_out = shape[1], shape[0]
    std = float(np.sqrt(2.0 / (fan_in + fan_out)))
    return jax.random.normal(key, shape, dtype=jnp.float32) * std


def setup_inputs(seed: int = 0) -> dict:
    key = jax.random.key(seed)
    k1, k2, k3 = jax.random.split(key, 3)
    features = jax.random.normal(k1, (BATCH, FEATURE_DIM), dtype=jnp.float32)
    labels = jax.random.randint(k2, (BATCH,), 0, NUM_CLASSES, dtype=jnp.int64 if jax.config.jax_enable_x64 else jnp.int32)
    centers = _xavier_normal(k3, (NUM_CLASSES, FEATURE_DIM))
    return {"features": features, "labels": labels, "centers": centers}


def reference(features, labels, centers):
    # centers_batch = self.centers[labels]  (gather)
    centers_batch = jnp.take(centers, labels, axis=0)
    center_loss = jnp.sum(jnp.square(features - centers_batch), axis=1)
    center_loss = jnp.mean(center_loss)
    return LAMBDA_C * center_loss

if __name__ == "__main__":
    import jax
    _d = setup_inputs()
    print(jax.jit(kernel)(*tuple(_d.values())))

</pallas_src>

<mosaic_0001>
#map = affine_map<(d0, d1) -> (0, 0)>
#map1 = affine_map<(d0, d1) -> (0)>
module attributes {stable_mosaic.version = 14 : i64} {
  func.func @_center_loss_sc(%arg0: i32, %arg1: i32, %arg2: memref<64x16384xf32, #tpu.memory_space<hbm>>, %arg3: memref<16384xi32, #tpu.memory_space<hbm>>, %arg4: memref<64x100000xf32, #tpu.memory_space<hbm>>, %arg5: memref<512xf32, #tpu.memory_space<hbm>>, %arg6: memref<33408xf32, #tpu.memory_space<vmem>>, %arg7: memref<33408xf32, #tpu.memory_space<vmem>>, %arg8: memref<32xf32, #tpu.memory_space<vmem>>, %arg9: memref<16384xf32, #tpu.memory_space<vmem>>, %arg10: memref<16384xf32, #tpu.memory_space<vmem>>, %arg11: memref<16384xi32, #tpu.memory_space<vmem>>, %arg12: memref<16xf32, #tpu.memory_space<vmem>>, %arg13: memref<!tpu.dma_semaphore, #tpu.memory_space<semaphore_mem>>, %arg14: memref<!tpu.dma_semaphore, #tpu.memory_space<semaphore_mem>>, %arg15: memref<!tpu.dma_semaphore, #tpu.memory_space<semaphore_mem>>) attributes {dimension_semantics = [#tpu.dimension_semantics<core_parallel>, #tpu.dimension_semantics<subcore_parallel>], iteration_bounds = array<i64: 2, 16>, scalar_prefetch = 0 : i64, scratch_operands = 10 : i64, tpu.core_type = #tpu.core_type<sc_vector_subcore>, window_params = [{transform_indices = #map}, {transform_indices = #map1}, {transform_indices = #map}, {transform_indices = #map1}]} {
    %mul3A = arith.constant 2 : i32
    %mul3A_0 = arith.muli %arg1, %mul3A : i32
    %add3A = arith.addi %mul3A_0, %arg0 : i32
    tpu.enqueue_dma source(%arg3 : memref<16384xi32, #tpu.memory_space<hbm>>) target(%arg11 : memref<16384xi32, #tpu.memory_space<vmem>>) target_semaphore(%arg15 : memref<!tpu.dma_semaphore, #tpu.memory_space<semaphore_mem>>)
    %mul3A_1 = arith.constant 2 : i32
    %mul3A_2 = arith.muli %add3A, %mul3A_1 : i32
    %dma_start3A = arith.constant 0 : i32
    %dma_start3A_3 = tpu.memref_slice %arg2[%mul3A_2, %dma_start3A] : memref<64x16384xf32, #tpu.memory_space<hbm>> -> memref<1x16384xf32, #tpu.memory_space<hbm>>
    %dma_start3A_4 = tpu.memref_squeeze %dma_start3A_3 : memref<1x16384xf32, #tpu.memory_space<hbm>> -> memref<16384xf32, #tpu.memory_space<hbm>>
    %dma_start3A_5 = arith.constant 0 : i32
    %dma_start3A_6 = tpu.memref_slice %arg2[%mul3A_2, %dma_start3A_5] : memref<64x16384xf32, #tpu.memory_space<hbm>> -> memref<1x16384xf32, #tpu.memory_space<hbm>>
    %dma_start3A_7 = tpu.memref_squeeze %dma_start3A_6 : memref<1x16384xf32, #tpu.memory_space<hbm>> -> memref<16384xf32, #tpu.memory_space<hbm>>
    tpu.enqueue_dma source(%dma_start3A_7 : memref<16384xf32, #tpu.memory_space<hbm>>) target(%arg9 : memref<16384xf32, #tpu.memory_space<vmem>>) target_semaphore(%arg15 : memref<!tpu.dma_semaphore, #tpu.memory_space<semaphore_mem>>)
    %mul3A_8 = arith.constant 2 : i32
    %mul3A_9 = arith.muli %add3A, %mul3A_8 : i32
    %add3A_10 = arith.constant 0 : i32
    %add3A_11 = arith.addi %mul3A_9, %add3A_10 : i32
    %dma_start3A_12 = arith.constant 0 : i32
    %dma_start3A_13 = tpu.memref_slice %arg6[%dma_start3A_12] : memref<33408xf32, #tpu.memory_space<vmem>> -> memref<33408xf32, #tpu.memory_space<vmem>>
    %dma_start3A_14 = arith.constant 0 : i32
    %dma_start3A_15 = tpu.memref_slice %arg4[%add3A_11, %dma_start3A_14] : memref<64x100000xf32, #tpu.memory_space<hbm>> -> memref<1x33408xf32, #tpu.memory_space<hbm>>
    %dma_start3A_16 = tpu.memref_squeeze %dma_start3A_15 : memref<1x33408xf32, #tpu.memory_space<hbm>> -> memref<33408xf32, #tpu.memory_space<hbm>>
    %dma_start3A_17 = arith.constant 0 : i32
    %dma_start3A_18 = tpu.memref_slice %arg6[%dma_start3A_17] : memref<33408xf32, #tpu.memory_space<vmem>> -> memref<33408xf32, #tpu.memory_space<vmem>>
    %dma_start3A_19 = arith.constant 0 : i32
    %dma_start3A_20 = tpu.memref_slice %arg4[%add3A_11, %dma_start3A_19] : memref<64x100000xf32, #tpu.memory_space<hbm>> -> memref<1x33408xf32, #tpu.memory_space<hbm>>
    %dma_start3A_21 = tpu.memref_squeeze %dma_start3A_20 : memref<1x33408xf32, #tpu.memory_space<hbm>> -> memref<33408xf32, #tpu.memory_space<hbm>>
    tpu.enqueue_dma source(%dma_start3A_21 : memref<33408xf32, #tpu.memory_space<hbm>>) target(%dma_start3A_18 : memref<33408xf32, #tpu.memory_space<vmem>>) target_semaphore(%arg13 : memref<!tpu.dma_semaphore, #tpu.memory_space<semaphore_mem>>)
    tpu.wait_dma2 semaphore(%arg15 : memref<!tpu.dma_semaphore, #tpu.memory_space<semaphore_mem>>) src(%arg3 : memref<16384xi32, #tpu.memory_space<hbm>>) dst(%arg11 : memref<16384xi32, #tpu.memory_space<vmem>>)
    %dma_wait3A = arith.constant 0 : i32
    %dma_wait3A_22 = tpu.memref_slice %arg2[%mul3A_2, %dma_wait3A] : memref<64x16384xf32, #tpu.memory_space<hbm>> -> memref<1x16384xf32, #tpu.memory_space<hbm>>
    %dma_wait3A_23 = tpu.memref_squeeze %dma_wait3A_22 : memref<1x16384xf32, #tpu.memory_space<hbm>> -> memref<16384xf32, #tpu.memory_space<hbm>>
    %dma_wait3A_24 = arith.constant 0 : i32
    %dma_wait3A_25 = tpu.memref_slice %arg2[%mul3A_2, %dma_wait3A_24] : memref<64x16384xf32, #tpu.memory_space<hbm>> -> memref<1x16384xf32, #tpu.memory_space<hbm>>
    %dma_wait3A_26 = tpu.memref_squeeze %dma_wait3A_25 : memref<1x16384xf32, #tpu.memory_space<hbm>> -> memref<16384xf32, #tpu.memory_space<hbm>>
    tpu.wait_dma2 semaphore(%arg15 : memref<!tpu.dma_semaphore, #tpu.memory_space<semaphore_mem>>) src(%dma_wait3A_26 : memref<16384xf32, #tpu.memory_space<hbm>>) dst(%arg9 : memref<16384xf32, #tpu.memory_space<vmem>>)
    %broadcast_in_dim3A = arith.constant 0.000000e+00 : f32
    %broadcast_in_dim3A_27 = vector.broadcast %broadcast_in_dim3A : f32 to vector<16xf32>
    %broadcast_in_dim3A_28 = arith.constant 0.000000e+00 : f32
    %broadcast_in_dim3A_29 = vector.broadcast %broadcast_in_dim3A_28 : f32 to vector<16xf32>
    %broadcast_in_dim3A_30 = arith.constant 0.000000e+00 : f32
    %broadcast_in_dim3A_31 = vector.broadcast %broadcast_in_dim3A_30 : f32 to vector<16xf32>
    %broadcast_in_dim3A_32 = arith.constant 0.000000e+00 : f32
    %broadcast_in_dim3A_33 = vector.broadcast %broadcast_in_dim3A_32 : f32 to vector<16xf32>
    %dma_wait3A_34 = arith.constant 0 : i32
    %dma_wait3A_35 = tpu.memref_slice %arg6[%dma_wait3A_34] : memref<33408xf32, #tpu.memory_space<vmem>> -> memref<33408xf32, #tpu.memory_space<vmem>>
    %dma_wait3A_36 = arith.constant 0 : i32
    %dma_wait3A_37 = tpu.memref_slice %arg4[%add3A_11, %dma_wait3A_36] : memref<64x100000xf32, #tpu.memory_space<hbm>> -> memref<1x33408xf32, #tpu.memory_space<hbm>>
    %dma_wait3A_38 = tpu.memref_squeeze %dma_wait3A_37 : memref<1x33408xf32, #tpu.memory_space<hbm>> -> memref<33408xf32, #tpu.memory_space<hbm>>
    %dma_wait3A_39 = arith.constant 0 : i32
    %dma_wait3A_40 = tpu.memref_slice %arg6[%dma_wait3A_39] : memref<33408xf32, #tpu.memory_space<vmem>> -> memref<33408xf32, #tpu.memory_space<vmem>>
    %dma_wait3A_41 = arith.constant 0 : i32
    %dma_wait3A_42 = tpu.memref_slice %arg4[%add3A_11, %dma_wait3A_41] : memref<64x100000xf32, #tpu.memory_space<hbm>> -> memref<1x33408xf32, #tpu.memory_space<hbm>>
    %dma_wait3A_43 = tpu.memref_squeeze %dma_wait3A_42 : memref<1x33408xf32, #tpu.memory_space<hbm>> -> memref<33408xf32, #tpu.memory_space<hbm>>
    tpu.wait_dma2 semaphore(%arg13 : memref<!tpu.dma_semaphore, #tpu.memory_space<semaphore_mem>>) src(%dma_wait3A_43 : memref<33408xf32, #tpu.memory_space<hbm>>) dst(%dma_wait3A_40 : memref<33408xf32, #tpu.memory_space<vmem>>)
    %mul3A_44 = arith.constant 2 : i32
    %mul3A_45 = arith.muli %add3A, %mul3A_44 : i32
    %add3A_46 = arith.constant 0 : i32
    %add3A_47 = arith.addi %mul3A_45, %add3A_46 : i32
    %dma_start3A_48 = arith.constant 0 : i32
    %dma_start3A_49 = tpu.memref_slice %arg7[%dma_start3A_48] : memref<33408xf32, #tpu.memory_space<vmem>> -> memref<33408xf32, #tpu.memory_space<vmem>>
    %dma_start3A_50 = arith.constant 33408 : i32
    %dma_start3A_51 = tpu.memref_slice %arg4[%add3A_47, %dma_start3A_50] : memref<64x100000xf32, #tpu.memory_space<hbm>> -> memref<1x33408xf32, #tpu.memory_space<hbm>>
    %dma_start3A_52 = tpu.memref_squeeze %dma_start3A_51 : memref<1x33408xf32, #tpu.memory_space<hbm>> -> memref<33408xf32, #tpu.memory_space<hbm>>
    %dma_start3A_53 = arith.constant 0 : i32
    %dma_start3A_54 = tpu.memref_slice %arg7[%dma_start3A_53] : memref<33408xf32, #tpu.memory_space<vmem>> -> memref<33408xf32, #tpu.memory_space<vmem>>
    %dma_start3A_55 = arith.constant 33408 : i32
    %dma_start3A_56 = tpu.memref_slice %arg4[%add3A_47, %dma_start3A_55] : memref<64x100000xf32, #tpu.memory_space<hbm>> -> memref<1x33408xf32, #tpu.memory_space<hbm>>
    %dma_start3A_57 = tpu.memref_squeeze %dma_start3A_56 : memref<1x33408xf32, #tpu.memory_space<hbm>> -> memref<33408xf32, #tpu.memory_space<hbm>>
    tpu.enqueue_dma source(%dma_start3A_57 : memref<33408xf32, #tpu.memory_space<hbm>>) target(%dma_start3A_54 : memref<33408xf32, #tpu.memory_space<vmem>>) target_semaphore(%arg14 : memref<!tpu.dma_semaphore, #tpu.memory_space<semaphore_mem>>)
    %parallel_loop3A = arith.constant 0 : i32
    %parallel_loop3A_58 = arith.constant 1024 : i32
    %parallel_loop3A_59 = arith.constant 4 : i32
    %parallel_loop3A_60:4 = scf.for %parallel_loop3A_220 = %parallel_loop3A to %parallel_loop3A_58 step %parallel_loop3A_59 iter_args(%parallel_loop3A_221 = %broadcast_in_dim3A_27, %parallel_loop3A_222 = %broadcast_in_dim3A_29, %parallel_loop3A_223 = %broadcast_in_dim3A_31, %parallel_loop3A_224 = %broadcast_in_dim3A_33) -> (vector<16xf32>, vector<16xf32>, vector<16xf32>, vector<16xf32>)  : i32 {
      %parallel_loop3A_225 = arith.constant 0 : i32
      %parallel_loop3A_226 = arith.addi %parallel_loop3A_220, %parallel_loop3A_225 : i32
      %parallel_loop3A_227 = arith.constant 16 : i32
      %parallel_loop3A_228 = arith.muli %parallel_loop3A_226, %parallel_loop3A_227 : i32
      %parallel_loop3A_229 = arith.index_cast %parallel_loop3A_228 : i32 to index
      %parallel_loop3A_230 = tpu.vector_load %arg11[%parallel_loop3A_229] {strides = array<i32>} : memref<16384xi32, #tpu.memory_space<vmem>>, vector<16xi32>,
      %parallel_loop3A_231 = arith.index_cast %parallel_loop3A_228 : i32 to index
      %parallel_loop3A_232 = tpu.vector_load %arg9[%parallel_loop3A_231] {strides = array<i32>} : memref<16384xf32, #tpu.memory_space<vmem>>, vector<16xf32>,
      %parallel_loop3A_233 = arith.constant 0 : i32
      %parallel_loop3A_234 = vector.broadcast %parallel_loop3A_233 : i32 to vector<16xi32>
      %parallel_loop3A_235 = arith.subi %parallel_loop3A_230, %parallel_loop3A_234 : vector<16xi32>
      %parallel_loop3A_236 = vector.bitcast %parallel_loop3A_235 : vector<16xi32> to vector<16xi32>
      %parallel_loop3A_237 = arith.constant 33408 : i32
      %parallel_loop3A_238 = vector.broadcast %parallel_loop3A_237 : i32 to vector<16xi32>
      %parallel_loop3A_239 = arith.cmpi ult, %parallel_loop3A_236, %parallel_loop3A_238 : vector<16xi32>
      %parallel_loop3A_240 = tpu.vector_load_idx %arg6[%parallel_loop3A_235] masked %parallel_loop3A_239 : memref<33408xf32, #tpu.memory_space<vmem>>[vector<16xi32>], vector<16xf32>, vector<16xi1>
      %parallel_loop3A_241 = arith.subf %parallel_loop3A_232, %parallel_loop3A_240 : vector<16xf32>
      %parallel_loop3A_242 = arith.constant 0.000000e+00 : f32
      %parallel_loop3A_243 = vector.broadcast %parallel_loop3A_242 : f32 to vector<16xf32>
      %parallel_loop3A_244 = arith.select %parallel_loop3A_239, %parallel_loop3A_241, %parallel_loop3A_243 : vector<16xi1>, vector<16xf32>
      %parallel_loop3A_245 = arith.mulf %parallel_loop3A_244, %parallel_loop3A_244 : vector<16xf32>
      %parallel_loop3A_246 = arith.addf %parallel_loop3A_221, %parallel_loop3A_245 : vector<16xf32>
      %parallel_loop3A_247 = arith.constant 1 : i32
      %parallel_loop3A_248 = arith.addi %parallel_loop3A_220, %parallel_loop3A_247 : i32
      %parallel_loop3A_249 = arith.constant 16 : i32
      %parallel_loop3A_250 = arith.muli %parallel_loop3A_248, %parallel_loop3A_249 : i32
      %parallel_loop3A_251 = arith.index_cast %parallel_loop3A_250 : i32 to index
      %parallel_loop3A_252 = tpu.vector_load %arg11[%parallel_loop3A_251] {strides = array<i32>} : memref<16384xi32, #tpu.memory_space<vmem>>, vector<16xi32>,
      %parallel_loop3A_253 = arith.index_cast %parallel_loop3A_250 : i32 to index
      %parallel_loop3A_254 = tpu.vector_load %arg9[%parallel_loop3A_253] {strides = array<i32>} : memref<16384xf32, #tpu.memory_space<vmem>>, vector<16xf32>,
      %parallel_loop3A_255 = arith.constant 0 : i32
      %parallel_loop3A_256 = vector.broadcast %parallel_loop3A_255 : i32 to vector<16xi32>
      %parallel_loop3A_257 = arith.subi %parallel_loop3A_252, %parallel_loop3A_256 : vector<16xi32>
      %parallel_loop3A_258 = vector.bitcast %parallel_loop3A_257 : vector<16xi32> to vector<16xi32>
      %parallel_loop3A_259 = arith.constant 33408 : i32
      %parallel_loop3A_260 = vector.broadcast %parallel_loop3A_259 : i32 to vector<16xi32>
      %parallel_loop3A_261 = arith.cmpi ult, %parallel_loop3A_258, %parallel_loop3A_260 : vector<16xi32>
      %parallel_loop3A_262 = tpu.vector_load_idx %arg6[%parallel_loop3A_257] masked %parallel_loop3A_261 : memref<33408xf32, #tpu.memory_space<vmem>>[vector<16xi32>], vector<16xf32>, vector<16xi1>
      %parallel_loop3A_263 = arith.subf %parallel_loop3A_254, %parallel_loop3A_262 : vector<16xf32>
      %parallel_loop3A_264 = arith.constant 0.000000e+00 : f32
      %parallel_loop3A_265 = vector.broadcast %parallel_loop3A_264 : f32 to vector<16xf32>
      %parallel_loop3A_266 = arith.select %parallel_loop3A_261, %parallel_loop3A_263, %parallel_loop3A_265 : vector<16xi1>, vector<16xf32>
      %parallel_loop3A_267 = arith.mulf %parallel_loop3A_266, %parallel_loop3A_266 : vector<16xf32>
      %parallel_loop3A_268 = arith.addf %parallel_loop3A_222, %parallel_loop3A_267 : vector<16xf32>
      %parallel_loop3A_269 = arith.constant 2 : i32
      %parallel_loop3A_270 = arith.addi %parallel_loop3A_220, %parallel_loop3A_269 : i32
      %parallel_loop3A_271 = arith.constant 16 : i32
      %parallel_loop3A_272 = arith.muli %parallel_loop3A_270, %parallel_loop3A_271 : i32
      %parallel_loop3A_273 = arith.index_cast %parallel_loop3A_272 : i32 to index
      %parallel_loop3A_274 = tpu.vector_load %arg11[%parallel_loop3A_273] {strides = array<i32>} : memref<16384xi32, #tpu.memory_space<vmem>>, vector<16xi32>,
      %parallel_loop3A_275 = arith.index_cast %parallel_loop3A_272 : i32 to index
      %parallel_loop3A_276 = tpu.vector_load %arg9[%parallel_loop3A_275] {strides = array<i32>} : memref<16384xf32, #tpu.memory_space<vmem>>, vector<16xf32>,
      %parallel_loop3A_277 = arith.constant 0 : i32
      %parallel_loop3A_278 = vector.broadcast %parallel_loop3A_277 : i32 to vector<16xi32>
      %parallel_loop3A_279 = arith.subi %parallel_loop3A_274, %parallel_loop3A_278 : vector<16xi32>
      %parallel_loop3A_280 = vector.bitcast %parallel_loop3A_279 : vector<16xi32> to vector<16xi32>
      %parallel_loop3A_281 = arith.constant 33408 : i32
      %parallel_loop3A_282 = vector.broadcast %parallel_loop3A_281 : i32 to vector<16xi32>
      %parallel_loop3A_283 = arith.cmpi ult, %parallel_loop3A_280, %parallel_loop3A_282 : vector<16xi32>
      %parallel_loop3A_284 = tpu.vector_load_idx %arg6[%parallel_loop3A_279] masked %parallel_loop3A_283 : memref<33408xf32, #tpu.memory_space<vmem>>[vector<16xi32>], vector<16xf32>, vector<16xi1>
      %parallel_loop3A_285 = arith.subf %parallel_loop3A_276, %parallel_loop3A_284 : vector<16xf32>
      %parallel_loop3A_286 = arith.constant 0.000000e+00 : f32
      %parallel_loop3A_287 = vector.broadcast %parallel_loop3A_286 : f32 to vector<16xf32>
      %parallel_loop3A_288 = arith.select %parallel_loop3A_283, %parallel_loop3A_285, %parallel_loop3A_287 : vector<16xi1>, vector<16xf32>
      %parallel_loop3A_289 = arith.mulf %parallel_loop3A_288, %parallel_loop3A_288 : vector<16xf32>
      %parallel_loop3A_290 = arith.addf %parallel_loop3A_223, %parallel_loop3A_289 : vector<16xf32>
      %parallel_loop3A_291 = arith.constant 3 : i32
      %parallel_loop3A_292 = arith.addi %parallel_loop3A_220, %parallel_loop3A_291 : i32
      %parallel_loop3A_293 = arith.constant 16 : i32
      %parallel_loop3A_294 = arith.muli %parallel_loop3A_292, %parallel_loop3A_293 : i32
      %parallel_loop3A_295 = arith.index_cast %parallel_loop3A_294 : i32 to index
      %parallel_loop3A_296 = tpu.vector_load %arg11[%parallel_loop3A_295] {strides = array<i32>} : memref<16384xi32, #tpu.memory_space<vmem>>, vector<16xi32>,
      %parallel_loop3A_297 = arith.index_cast %parallel_loop3A_294 : i32 to index
      %parallel_loop3A_298 = tpu.vector_load %arg9[%parallel_loop3A_297] {strides = array<i32>} : memref<16384xf32, #tpu.memory_space<vmem>>, vector<16xf32>,
      %parallel_loop3A_299 = arith.constant 0 : i32
      %parallel_loop3A_300 = vector.broadcast %parallel_loop3A_299 : i32 to vector<16xi32>
      %parallel_loop3A_301 = arith.subi %parallel_loop3A_296, %parallel_loop3A_300 : vector<16xi32>
      %parallel_loop3A_302 = vector.bitcast %parallel_loop3A_301 : vector<16xi32> to vector<16xi32>
      %parallel_loop3A_303 = arith.constant 33408 : i32
      %parallel_loop3A_304 = vector.broadcast %parallel_loop3A_303 : i32 to vector<16xi32>
      %parallel_loop3A_305 = arith.cmpi ult, %parallel_loop3A_302, %parallel_loop3A_304 : vector<16xi32>
      %parallel_loop3A_306 = tpu.vector_load_idx %arg6[%parallel_loop3A_301] masked %parallel_loop3A_305 : memref<33408xf32, #tpu.memory_space<vmem>>[vector<16xi32>], vector<16xf32>, vector<16xi1>
      %parallel_loop3A_307 = arith.subf %parallel_loop3A_298, %parallel_loop3A_306 : vector<16xf32>
      %parallel_loop3A_308 = arith.constant 0.000000e+00 : f32
      %parallel_loop3A_309 = vector.broadcast %parallel_loop3A_308 : f32 to vector<16xf32>
      %parallel_loop3A_310 = arith.select %parallel_loop3A_305, %parallel_loop3A_307, %parallel_loop3A_309 : vector<16xi1>, vector<16xf32>
      %parallel_loop3A_311 = arith.mulf %parallel_loop3A_310, %parallel_loop3A_310 : vector<16xf32>
      %parallel_loop3A_312 = arith.addf %parallel_loop3A_224, %parallel_loop3A_311 : vector<16xf32>
      scf.yield %parallel_loop3A_246, %parallel_loop3A_268, %parallel_loop3A_290, %parallel_loop3A_312 : vector<16xf32>, vector<16xf32>, vector<16xf32>, vector<16xf32>
    } {sc.loop_unroll_factor = 2 : i64, sc.parallel_access}
    %dma_wait3A_61 = arith.constant 0 : i32
    %dma_wait3A_62 = tpu.memref_slice %arg7[%dma_wait3A_61] : memref<33408xf32, #tpu.memory_space<vmem>> -> memref<33408xf32, #tpu.memory_space<vmem>>
    %dma_wait3A_63 = arith.constant 33408 : i32
    %dma_wait3A_64 = tpu.memref_slice %arg4[%add3A_47, %dma_wait3A_63] : memref<64x100000xf32, #tpu.memory_space<hbm>> -> memref<1x33408xf32, #tpu.memory_space<hbm>>
    %dma_wait3A_65 = tpu.memref_squeeze %dma_wait3A_64 : memref<1x33408xf32, #tpu.memory_space<hbm>> -> memref<33408xf32, #tpu.memory_space<hbm>>
    %dma_wait3A_66 = arith.constant 0 : i32
    %dma_wait3A_67 = tpu.memref_slice %arg7[%dma_wait3A_66] : memref<33408xf32, #tpu.memory_space<vmem>> -> memref<33408xf32, #tpu.memory_space<vmem>>
    %dma_wait3A_68 = arith.constant 33408 : i32
    %dma_wait3A_69 = tpu.memref_slice %arg4[%add3A_47, %dma_wait3A_68] : memref<64x100000xf32, #tpu.memory_space<hbm>> -> memref<1x33408xf32, #tpu.memory_space<hbm>>
    %dma_wait3A_70 = tpu.memref_squeeze %dma_wait3A_69 : memref<1x33408xf32, #tpu.memory_space<hbm>> -> memref<33408xf32, #tpu.memory_space<hbm>>
    tpu.wait_dma2 semaphore(%arg14 : memref<!tpu.dma_semaphore, #tpu.memory_space<semaphore_mem>>) src(%dma_wait3A_70 : memref<33408xf32, #tpu.memory_space<hbm>>) dst(%dma_wait3A_67 : memref<33408xf32, #tpu.memory_space<vmem>>)
    %mul3A_71 = arith.constant 2 : i32
    %mul3A_72 = arith.muli %add3A, %mul3A_71 : i32
    %add3A_73 = arith.constant 0 : i32
    %add3A_74 = arith.addi %mul3A_72, %add3A_73 : i32
    %dma_start3A_75 = arith.constant 0 : i32
    %dma_start3A_76 = tpu.memref_slice %arg6[%dma_start3A_75] : memref<33408xf32, #tpu.memory_space<vmem>> -> memref<33152xf32, #tpu.memory_space<vmem>>
    %dma_start3A_77 = arith.constant 66816 : i32
    %dma_start3A_78 = tpu.memref_slice %arg4[%add3A_74, %dma_start3A_77] : memref<64x100000xf32, #tpu.memory_space<hbm>> -> memref<1x33152xf32, #tpu.memory_space<hbm>>
    %dma_start3A_79 = tpu.memref_squeeze %dma_start3A_78 : memref<1x33152xf32, #tpu.memory_space<hbm>> -> memref<33152xf32, #tpu.memory_space<hbm>>
    %dma_start3A_80 = arith.constant 0 : i32
    %dma_start3A_81 = tpu.memref_slice %arg6[%dma_start3A_80] : memref<33408xf32, #tpu.memory_space<vmem>> -> memref<33152xf32, #tpu.memory_space<vmem>>
    %dma_start3A_82 = arith.constant 66816 : i32
    %dma_start3A_83 = tpu.memref_slice %arg4[%add3A_74, %dma_start3A_82] : memref<64x100000xf32, #tpu.memory_space<hbm>> -> memref<1x33152xf32, #tpu.memory_space<hbm>>
    %dma_start3A_84 = tpu.memref_squeeze %dma_start3A_83 : memref<1x33152xf32, #tpu.memory_space<hbm>> -> memref<33152xf32, #tpu.memory_space<hbm>>
    tpu.enqueue_dma source(%dma_start3A_84 : memref<33152xf32, #tpu.memory_space<hbm>>) target(%dma_start3A_81 : memref<33152xf32, #tpu.memory_space<vmem>>) target_semaphore(%arg13 : memref<!tpu.dma_semaphore, #tpu.memory_space<semaphore_mem>>)
    %mul3A_85 = arith.constant 2 : i32
    %mul3A_86 = arith.muli %add3A, %mul3A_85 : i32
    %add3A_87 = arith.constant 1 : i32
    %add3A_88 = arith.addi %mul3A_86, %add3A_87 : i32
    %dma_start3A_89 = arith.constant 0 : i32
    %dma_start3A_90 = tpu.memref_slice %arg2[%add3A_88, %dma_start3A_89] : memref<64x16384xf32, #tpu.memory_space<hbm>> -> memref<1x16384xf32, #tpu.memory_space<hbm>>
    %dma_start3A_91 = tpu.memref_squeeze %dma_start3A_90 : memref<1x16384xf32, #tpu.memory_space<hbm>> -> memref<16384xf32, #tpu.memory_space<hbm>>
    %dma_start3A_92 = arith.constant 0 : i32
    %dma_start3A_93 = tpu.memref_slice %arg2[%add3A_88, %dma_start3A_92] : memref<64x16384xf32, #tpu.memory_space<hbm>> -> memref<1x16384xf32, #tpu.memory_space<hbm>>
    %dma_start3A_94 = tpu.memref_squeeze %dma_start3A_93 : memref<1x16384xf32, #tpu.memory_space<hbm>> -> memref<16384xf32, #tpu.memory_space<hbm>>
    tpu.enqueue_dma source(%dma_start3A_94 : memref<16384xf32, #tpu.memory_space<hbm>>) target(%arg10 : memref<16384xf32, #tpu.memory_space<vmem>>) target_semaphore(%arg15 : memref<!tpu.dma_semaphore, #tpu.memory_space<semaphore_mem>>)
    %parallel_loop3A_95 = arith.constant 0 : i32
    %parallel_loop3A_96 = arith.constant 1024 : i32
    %parallel_loop3A_97 = arith.constant 4 : i32
    %parallel_loop3A_98:4 = scf.for %parallel_loop3A_220 = %parallel_loop3A_95 to %parallel_loop3A_96 step %parallel_loop3A_97 iter_args(%parallel_loop3A_221 = %parallel_loop3A_60#0, %parallel_loop3A_222 = %parallel_loop3A_60#1, %parallel_loop3A_223 = %parallel_loop3A_60#2, %parallel_loop3A_224 = %parallel_loop3A_60#3) -> (vector<16xf32>, vector<16xf32>, vector<16xf32>, vector<16xf32>)  : i32 {
      %parallel_loop3A_225 = arith.constant 0 : i32
      %parallel_loop3A_226 = arith.addi %parallel_loop3A_220, %parallel_loop3A_225 : i32
      %parallel_loop3A_227 = arith.constant 16 : i32
      %parallel_loop3A_228 = arith.muli %parallel_loop3A_226, %parallel_loop3A_227 : i32
      %parallel_loop3A_229 = arith.index_cast %parallel_loop3A_228 : i32 to index
      %parallel_loop3A_230 = tpu.vector_load %arg11[%parallel_loop3A_229] {strides = array<i32>} : memref<16384xi32, #tpu.memory_space<vmem>>, vector<16xi32>,
      %parallel_loop3A_231 = arith.index_cast %parallel_loop3A_228 : i32 to index
      %parallel_loop3A_232 = tpu.vector_load %arg9[%parallel_loop3A_231] {strides = array<i32>} : memref<16384xf32, #tpu.memory_space<vmem>>, vector<16xf32>,
      %parallel_loop3A_233 = arith.constant 33408 : i32
      %parallel_loop3A_234 = vector.broadcast %parallel_loop3A_233 : i32 to vector<16xi32>
      %parallel_loop3A_235 = arith.subi %parallel_loop3A_230, %parallel_loop3A_234 : vector<16xi32>
      %parallel_loop3A_236 = vector.bitcast %parallel_loop3A_235 : vector<16xi32> to vector<16xi32>
      %parallel_loop3A_237 = arith.constant 33408 : i32
      %parallel_loop3A_238 = vector.broadcast %parallel_loop3A_237 : i32 to vector<16xi32>
      %parallel_loop3A_239 = arith.cmpi ult, %parallel_loop3A_236, %parallel_loop3A_238 : vector<16xi32>
      %parallel_loop3A_240 = tpu.vector_load_idx %arg7[%parallel_loop3A_235] masked %parallel_loop3A_239 : memref<33408xf32, #tpu.memory_space<vmem>>[vector<16xi32>], vector<16xf32>, vector<16xi1>
      %parallel_loop3A_241 = arith.subf %parallel_loop3A_232, %parallel_loop3A_240 : vector<16xf32>
      %parallel_loop3A_242 = arith.constant 0.000000e+00 : f32
      %parallel_loop3A_243 = vector.broadcast %parallel_loop3A_242 : f32 to vector<16xf32>
      %parallel_loop3A_244 = arith.select %parallel_loop3A_239, %parallel_loop3A_241, %parallel_loop3A_243 : vector<16xi1>, vector<16xf32>
      %parallel_loop3A_245 = arith.mulf %parallel_loop3A_244, %parallel_loop3A_244 : vector<16xf32>
      %parallel_loop3A_246 = arith.addf %parallel_loop3A_221, %parallel_loop3A_245 : vector<16xf32>
      %parallel_loop3A_247 = arith.constant 1 : i32
      %parallel_loop3A_248 = arith.addi %parallel_loop3A_220, %parallel_loop3A_247 : i32
      %parallel_loop3A_249 = arith.constant 16 : i32
      %parallel_loop3A_250 = arith.muli %parallel_loop3A_248, %parallel_loop3A_249 : i32
      %parallel_loop3A_251 = arith.index_cast %parallel_loop3A_250 : i32 to index
      %parallel_loop3A_252 = tpu.vector_load %arg11[%parallel_loop3A_251] {strides = array<i32>} : memref<16384xi32, #tpu.memory_space<vmem>>, vector<16xi32>,
      %parallel_loop3A_253 = arith.index_cast %parallel_loop3A_250 : i32 to index
      %parallel_loop3A_254 = tpu.vector_load %arg9[%parallel_loop3A_253] {strides = array<i32>} : memref<16384xf32, #tpu.memory_space<vmem>>, vector<16xf32>,
      %parallel_loop3A_255 = arith.constant 33408 : i32
      %parallel_loop3A_256 = vector.broadcast %parallel_loop3A_255 : i32 to vector<16xi32>
      %parallel_loop3A_257 = arith.subi %parallel_loop3A_252, %parallel_loop3A_256 : vector<16xi32>
      %parallel_loop3A_258 = vector.bitcast %parallel_loop3A_257 : vector<16xi32> to vector<16xi32>
      %parallel_loop3A_259 = arith.constant 33408 : i32
      %parallel_loop3A_260 = vector.broadcast %parallel_loop3A_259 : i32 to vector<16xi32>
      %parallel_loop3A_261 = arith.cmpi ult, %parallel_loop3A_258, %parallel_loop3A_260 : vector<16xi32>
      %parallel_loop3A_262 = tpu.vector_load_idx %arg7[%parallel_loop3A_257] masked %parallel_loop3A_261 : memref<33408xf32, #tpu.memory_space<vmem>>[vector<16xi32>], vector<16xf32>, vector<16xi1>
      %parallel_loop3A_263 = arith.subf %parallel_loop3A_254, %parallel_loop3A_262 : vector<16xf32>
      %parallel_loop3A_264 = arith.constant 0.000000e+00 : f32
      %parallel_loop3A_265 = vector.broadcast %parallel_loop3A_264 : f32 to vector<16xf32>
      %parallel_loop3A_266 = arith.select %parallel_loop3A_261, %parallel_loop3A_263, %parallel_loop3A_265 : vector<16xi1>, vector<16xf32>
      %parallel_loop3A_267 = arith.mulf %parallel_loop3A_266, %parallel_loop3A_266 : vector<16xf32>
      %parallel_loop3A_268 = arith.addf %parallel_loop3A_222, %parallel_loop3A_267 : vector<16xf32>
      %parallel_loop3A_269 = arith.constant 2 : i32
      %parallel_loop3A_270 = arith.addi %parallel_loop3A_220, %parallel_loop3A_269 : i32
      %parallel_loop3A_271 = arith.constant 16 : i32
      %parallel_loop3A_272 = arith.muli %parallel_loop3A_270, %parallel_loop3A_271 : i32
      %parallel_loop3A_273 = arith.index_cast %parallel_loop3A_272 : i32 to index
      %parallel_loop3A_274 = tpu.vector_load %arg11[%parallel_loop3A_273] {strides = array<i32>} : memref<16384xi32, #tpu.memory_space<vmem>>, vector<16xi32>,
      %parallel_loop3A_275 = arith.index_cast %parallel_loop3A_272 : i32 to index
      %parallel_loop3A_276 = tpu.vector_load %arg9[%parallel_loop3A_275] {strides = array<i32>} : memref<16384xf32, #tpu.memory_space<vmem>>, vector<16xf32>,
      %parallel_loop3A_277 = arith.constant 33408 : i32
      %parallel_loop3A_278 = vector.broadcast %parallel_loop3A_277 : i32 to vector<16xi32>
      %parallel_loop3A_279 = arith.subi %parallel_loop3A_274, %parallel_loop3A_278 : vector<16xi32>
      %parallel_loop3A_280 = vector.bitcast %parallel_loop3A_279 : vector<16xi32> to vector<16xi32>
      %parallel_loop3A_281 = arith.constant 33408 : i32
      %parallel_loop3A_282 = vector.broadcast %parallel_loop3A_281 : i32 to vector<16xi32>
      %parallel_loop3A_283 = arith.cmpi ult, %parallel_loop3A_280, %parallel_loop3A_282 : vector<16xi32>
      %parallel_loop3A_284 = tpu.vector_load_idx %arg7[%parallel_loop3A_279] masked %parallel_loop3A_283 : memref<33408xf32, #tpu.memory_space<vmem>>[vector<16xi32>], vector<16xf32>, vector<16xi1>
      %parallel_loop3A_285 = arith.subf %parallel_loop3A_276, %parallel_loop3A_284 : vector<16xf32>
      %parallel_loop3A_286 = arith.constant 0.000000e+00 : f32
      %parallel_loop3A_287 = vector.broadcast %parallel_loop3A_286 : f32 to vector<16xf32>
      %parallel_loop3A_288 = arith.select %parallel_loop3A_283, %parallel_loop3A_285, %parallel_loop3A_287 : vector<16xi1>, vector<16xf32>
      %parallel_loop3A_289 = arith.mulf %parallel_loop3A_288, %parallel_loop3A_288 : vector<16xf32>
      %parallel_loop3A_290 = arith.addf %parallel_loop3A_223, %parallel_loop3A_289 : vector<16xf32>
      %parallel_loop3A_291 = arith.constant 3 : i32
      %parallel_loop3A_292 = arith.addi %parallel_loop3A_220, %parallel_loop3A_291 : i32
      %parallel_loop3A_293 = arith.constant 16 : i32
      %parallel_loop3A_294 = arith.muli %parallel_loop3A_292, %parallel_loop3A_293 : i32
      %parallel_loop3A_295 = arith.index_cast %parallel_loop3A_294 : i32 to index
      %parallel_loop3A_296 = tpu.vector_load %arg11[%parallel_loop3A_295] {strides = array<i32>} : memref<16384xi32, #tpu.memory_space<vmem>>, vector<16xi32>,
      %parallel_loop3A_297 = arith.index_cast %parallel_loop3A_294 : i32 to index
      %parallel_loop3A_298 = tpu.vector_load %arg9[%parallel_loop3A_297] {strides = array<i32>} : memref<16384xf32, #tpu.memory_space<vmem>>, vector<16xf32>,
      %parallel_loop3A_299 = arith.constant 33408 : i32
      %parallel_loop3A_300 = vector.broadcast %parallel_loop3A_299 : i32 to vector<16xi32>
      %parallel_loop3A_301 = arith.subi %parallel_loop3A_296, %parallel_loop3A_300 : vector<16xi32>
      %parallel_loop3A_302 = vector.bitcast %parallel_loop3A_301 : vector<16xi32> to vector<16xi32>
      %parallel_loop3A_303 = arith.constant 33408 : i32
      %parallel_loop3A_304 = vector.broadcast %parallel_loop3A_303 : i32 to vector<16xi32>
      %parallel_loop3A_305 = arith.cmpi ult, %parallel_loop3A_302, %parallel_loop3A_304 : vector<16xi32>
      %parallel_loop3A_306 = tpu.vector_load_idx %arg7[%parallel_loop3A_301] masked %parallel_loop3A_305 : memref<33408xf32, #tpu.memory_space<vmem>>[vector<16xi32>], vector<16xf32>, vector<16xi1>
      %parallel_loop3A_307 = arith.subf %parallel_loop3A_298, %parallel_loop3A_306 : vector<16xf32>
      %parallel_loop3A_308 = arith.constant 0.000000e+00 : f32
      %parallel_loop3A_309 = vector.broadcast %parallel_loop3A_308 : f32 to vector<16xf32>
      %parallel_loop3A_310 = arith.select %parallel_loop3A_305, %parallel_loop3A_307, %parallel_loop3A_309 : vector<16xi1>, vector<16xf32>
      %parallel_loop3A_311 = arith.mulf %parallel_loop3A_310, %parallel_loop3A_310 : vector<16xf32>
      %parallel_loop3A_312 = arith.addf %parallel_loop3A_224, %parallel_loop3A_311 : vector<16xf32>
      scf.yield %parallel_loop3A_246, %parallel_loop3A_268, %parallel_loop3A_290, %parallel_loop3A_312 : vector<16xf32>, vector<16xf32>, vector<16xf32>, vector<16xf32>
    } {sc.loop_unroll_factor = 2 : i64, sc.parallel_access}
    %dma_wait3A_99 = arith.constant 0 : i32
    %dma_wait3A_100 = tpu.memref_slice %arg6[%dma_wait3A_99] : memref<33408xf32, #tpu.memory_space<vmem>> -> memref<33152xf32, #tpu.memory_space<vmem>>
    %dma_wait3A_101 = arith.constant 66816 : i32
    %dma_wait3A_102 = tpu.memref_slice %arg4[%add3A_74, %dma_wait3A_101] : memref<64x100000xf32, #tpu.memory_space<hbm>> -> memref<1x33152xf32, #tpu.memory_space<hbm>>
    %dma_wait3A_103 = tpu.memref_squeeze %dma_wait3A_102 : memref<1x33152xf32, #tpu.memory_space<hbm>> -> memref<33152xf32, #tpu.memory_space<hbm>>
    %dma_wait3A_104 = arith.constant 0 : i32
    %dma_wait3A_105 = tpu.memref_slice %arg6[%dma_wait3A_104] : memref<33408xf32, #tpu.memory_space<vmem>> -> memref<33152xf32, #tpu.memory_space<vmem>>
    %dma_wait3A_106 = arith.constant 66816 : i32
    %dma_wait3A_107 = tpu.memref_slice %arg4[%add3A_74, %dma_wait3A_106] : memref<64x100000xf32, #tpu.memory_space<hbm>> -> memref<1x33152xf32, #tpu.memory_space<hbm>>
    %dma_wait3A_108 = tpu.memref_squeeze %dma_wait3A_107 : memref<1x33152xf32, #tpu.memory_space<hbm>> -> memref<33152xf32, #tpu.memory_space<hbm>>
    tpu.wait_dma2 semaphore(%arg13 : memref<!tpu.dma_semaphore, #tpu.memory_space<semaphore_mem>>) src(%dma_wait3A_108 : memref<33152xf32, #tpu.memory_space<hbm>>) dst(%dma_wait3A_105 : memref<33152xf32, #tpu.memory_space<vmem>>)
    %mul3A_109 = arith.constant 2 : i32
    %mul3A_110 = arith.muli %add3A, %mul3A_109 : i32
    %add3A_111 = arith.constant 1 : i32
    %add3A_112 = arith.addi %mul3A_110, %add3A_111 : i32
    %dma_start3A_113 = arith.constant 0 : i32
    %dma_start3A_114 = tpu.memref_slice %arg7[%dma_start3A_113] : memref<33408xf32, #tpu.memory_space<vmem>> -> memref<33408xf32, #tpu.memory_space<vmem>>
    %dma_start3A_115 = arith.constant 0 : i32
    %dma_start3A_116 = tpu.memref_slice %arg4[%add3A_112, %dma_start3A_115] : memref<64x100000xf32, #tpu.memory_space<hbm>> -> memref<1x33408xf32, #tpu.memory_space<hbm>>
    %dma_start3A_117 = tpu.memref_squeeze %dma_start3A_116 : memref<1x33408xf32, #tpu.memory_space<hbm>> -> memref<33408xf32, #tpu.memory_space<hbm>>
    %dma_start3A_118 = arith.constant 0 : i32
    %dma_start3A_119 = tpu.memref_slice %arg7[%dma_start3A_118] : memref<33408xf32, #tpu.memory_space<vmem>> -> memref<33408xf32, #tpu.memory_space<vmem>>
    %dma_start3A_120 = arith.constant 0 : i32
    %dma_start3A_121 = tpu.memref_slice %arg4[%add3A_112, %dma_start3A_120] : memref<64x100000xf32, #tpu.memory_space<hbm>> -> memref<1x33408xf32, #tpu.memory_space<hbm>>
    %dma_start3A_122 = tpu.memref_squeeze %dma_start3A_121 : memref<1x33408xf32, #tpu.memory_space<hbm>> -> memref<33408xf32, #tpu.memory_space<hbm>>
    tpu.enqueue_dma source(%dma_start3A_122 : memref<33408xf32, #tpu.memory_space<hbm>>) target(%dma_start3A_119 : memref<33408xf32, #tpu.memory_space<vmem>>) target_semaphore(%arg14 : memref<!tpu.dma_semaphore, #tpu.memory_space<semaphore_mem>>)
    %mul3A_123 = arith.constant 2 : i32
    %mul3A_124 = arith.muli %add3A, %mul3A_123 : i32
    %add3A_125 = arith.constant 0 : i32
    %add3A_126 = arith.addi %mul3A_124, %add3A_125 : i32
    "tpu.region"() ({
      %run_scoped3A = tpu.sem_alloc : memref<!tpu.dma_semaphore, #tpu.memory_space<semaphore_mem>>
      %dma_start3A_220 = arith.constant 99968 : i32
      %dma_start3A_221 = tpu.memref_slice %arg4[%add3A_126, %dma_start3A_220] : memref<64x100000xf32, #tpu.memory_space<hbm>> -> memref<1x32xf32, #tpu.memory_space<hbm>>
      %dma_start3A_222 = tpu.memref_squeeze %dma_start3A_221 : memref<1x32xf32, #tpu.memory_space<hbm>> -> memref<32xf32, #tpu.memory_space<hbm>>
      %dma_start3A_223 = arith.constant 99968 : i32
      %dma_start3A_224 = tpu.memref_slice %arg4[%add3A_126, %dma_start3A_223] : memref<64x100000xf32, #tpu.memory_space<hbm>> -> memref<1x32xf32, #tpu.memory_space<hbm>>
      %dma_start3A_225 = tpu.memref_squeeze %dma_start3A_224 : memref<1x32xf32, #tpu.memory_space<hbm>> -> memref<32xf32, #tpu.memory_space<hbm>>
      tpu.enqueue_dma source(%dma_start3A_225 : memref<32xf32, #tpu.memory_space<hbm>>) target(%arg8 : memref<32xf32, #tpu.memory_space<vmem>>) target_semaphore(%run_scoped3A : memref<!tpu.dma_semaphore, #tpu.memory_space<semaphore_mem>>)
      %dma_wait3A_226 = arith.constant 99968 : i32
      %dma_wait3A_227 = tpu.memref_slice %arg4[%add3A_126, %dma_wait3A_226] : memref<64x100000xf32, #tpu.memory_space<hbm>> -> memref<1x32xf32, #tpu.memory_space<hbm>>
      %dma_wait3A_228 = tpu.memref_squeeze %dma_wait3A_227 : memref<1x32xf32, #tpu.memory_space<hbm>> -> memref<32xf32, #tpu.memory_space<hbm>>
      %dma_wait3A_229 = arith.constant 99968 : i32
      %dma_wait3A_230 = tpu.memref_slice %arg4[%add3A_126, %dma_wait3A_229] : memref<64x100000xf32, #tpu.memory_space<hbm>> -> memref<1x32xf32, #tpu.memory_space<hbm>>
      %dma_wait3A_231 = tpu.memref_squeeze %dma_wait3A_230 : memref<1x32xf32, #tpu.memory_space<hbm>> -> memref<32xf32, #tpu.memory_space<hbm>>
      tpu.wait_dma2 semaphore(%run_scoped3A : memref<!tpu.dma_semaphore, #tpu.memory_space<semaphore_mem>>) src(%dma_wait3A_231 : memref<32xf32, #tpu.memory_space<hbm>>) dst(%arg8 : memref<32xf32, #tpu.memory_space<vmem>>)
      tpu.yield
    }) : () -> ()
    %parallel_loop3A_127 = arith.constant 0 : i32
    %parallel_loop3A_128 = arith.constant 1024 : i32
    %parallel_loop3A_129 = arith.constant 4 : i32
    %parallel_loop3A_130:4 = scf.for %parallel_loop3A_220 = %parallel_loop3A_127 to %parallel_loop3A_128 step %parallel_loop3A_129 iter_args(%parallel_loop3A_221 = %parallel_loop3A_98#0, %parallel_loop3A_222 = %parallel_loop3A_98#1, %parallel_loop3A_223 = %parallel_loop3A_98#2, %parallel_loop3A_224 = %parallel_loop3A_98#3) -> (vector<16xf32>, vector<16xf32>, vector<16xf32>, vector<16xf32>)  : i32 {
      %parallel_loop3A_225 = arith.constant 0 : i32
      %parallel_loop3A_226 = arith.addi %parallel_loop3A_220, %parallel_loop3A_225 : i32
      %parallel_loop3A_227 = arith.constant 16 : i32
      %parallel_loop3A_228 = arith.muli %parallel_loop3A_226, %parallel_loop3A_227 : i32
      %parallel_loop3A_229 = arith.index_cast %parallel_loop3A_228 : i32 to index
      %parallel_loop3A_230 = tpu.vector_load %arg11[%parallel_loop3A_229] {strides = array<i32>} : memref<16384xi32, #tpu.memory_space<vmem>>, vector<16xi32>,
      %parallel_loop3A_231 = arith.index_cast %parallel_loop3A_228 : i32 to index
      %parallel_loop3A_232 = tpu.vector_load %arg9[%parallel_loop3A_231] {strides = array<i32>} : memref<16384xf32, #tpu.memory_space<vmem>>, vector<16xf32>,
      %parallel_loop3A_233 = arith.constant 66816 : i32
      %parallel_loop3A_234 = vector.broadcast %parallel_loop3A_233 : i32 to vector<16xi32>
      %parallel_loop3A_235 = arith.subi %parallel_loop3A_230, %parallel_loop3A_234 : vector<16xi32>
      %parallel_loop3A_236 = vector.bitcast %parallel_loop3A_235 : vector<16xi32> to vector<16xi32>
      %parallel_loop3A_237 = arith.constant 33152 : i32
      %parallel_loop3A_238 = vector.broadcast %parallel_loop3A_237 : i32 to vector<16xi32>
      %parallel_loop3A_239 = arith.cmpi ult, %parallel_loop3A_236, %parallel_loop3A_238 : vector<16xi32>
      %parallel_loop3A_240 = tpu.vector_load_idx %arg6[%parallel_loop3A_235] masked %parallel_loop3A_239 : memref<33408xf32, #tpu.memory_space<vmem>>[vector<16xi32>], vector<16xf32>, vector<16xi1>
      %parallel_loop3A_241 = arith.subf %parallel_loop3A_232, %parallel_loop3A_240 : vector<16xf32>
      %parallel_loop3A_242 = arith.constant 0.000000e+00 : f32
      %parallel_loop3A_243 = vector.broadcast %parallel_loop3A_242 : f32 to vector<16xf32>
      %parallel_loop3A_244 = arith.select %parallel_loop3A_239, %parallel_loop3A_241, %parallel_loop3A_243 : vector<16xi1>, vector<16xf32>
      %parallel_loop3A_245 = arith.mulf %parallel_loop3A_244, %parallel_loop3A_244 : vector<16xf32>
      %parallel_loop3A_246 = arith.addf %parallel_loop3A_221, %parallel_loop3A_245 : vector<16xf32>
      %parallel_loop3A_247 = arith.constant 99968 : i32
      %parallel_loop3A_248 = vector.broadcast %parallel_loop3A_247 : i32 to vector<16xi32>
      %parallel_loop3A_249 = arith.subi %parallel_loop3A_230, %parallel_loop3A_248 : vector<16xi32>
      %parallel_loop3A_250 = vector.bitcast %parallel_loop3A_249 : vector<16xi32> to vector<16xi32>
      %parallel_loop3A_251 = arith.constant 32 : i32
      %parallel_loop3A_252 = vector.broadcast %parallel_loop3A_251 : i32 to vector<16xi32>
      %parallel_loop3A_253 = arith.cmpi ult, %parallel_loop3A_250, %parallel_loop3A_252 : vector<16xi32>
      %parallel_loop3A_254 = tpu.vector_load_idx %arg8[%parallel_loop3A_249] masked %parallel_loop3A_253 : memref<32xf32, #tpu.memory_space<vmem>>[vector<16xi32>], vector<16xf32>, vector<16xi1>
      %parallel_loop3A_255 = arith.subf %parallel_loop3A_232, %parallel_loop3A_254 : vector<16xf32>
      %parallel_loop3A_256 = arith.constant 0.000000e+00 : f32
      %parallel_loop3A_257 = vector.broadcast %parallel_loop3A_256 : f32 to vector<16xf32>
      %parallel_loop3A_258 = arith.select %parallel_loop3A_253, %parallel_loop3A_255, %parallel_loop3A_257 : vector<16xi1>, vector<16xf32>
      %parallel_loop3A_259 = arith.mulf %parallel_loop3A_258, %parallel_loop3A_258 : vector<16xf32>
      %parallel_loop3A_260 = arith.addf %parallel_loop3A_246, %parallel_loop3A_259 : vector<16xf32>
      %parallel_loop3A_261 = arith.constant 1 : i32
      %parallel_loop3A_262 = arith.addi %parallel_loop3A_220, %parallel_loop3A_261 : i32
      %parallel_loop3A_263 = arith.constant 16 : i32
      %parallel_loop3A_264 = arith.muli %parallel_loop3A_262, %parallel_loop3A_263 : i32
      %parallel_loop3A_265 = arith.index_cast %parallel_loop3A_264 : i32 to index
      %parallel_loop3A_266 = tpu.vector_load %arg11[%parallel_loop3A_265] {strides = array<i32>} : memref<16384xi32, #tpu.memory_space<vmem>>, vector<16xi32>,
      %parallel_loop3A_267 = arith.index_cast %parallel_loop3A_264 : i32 to index
      %parallel_loop3A_268 = tpu.vector_load %arg9[%parallel_loop3A_267] {strides = array<i32>} : memref<16384xf32, #tpu.memory_space<vmem>>, vector<16xf32>,
      %parallel_loop3A_269 = arith.constant 66816 : i32
      %parallel_loop3A_270 = vector.broadcast %parallel_loop3A_269 : i32 to vector<16xi32>
      %parallel_loop3A_271 = arith.subi %parallel_loop3A_266, %parallel_loop3A_270 : vector<16xi32>
      %parallel_loop3A_272 = vector.bitcast %parallel_loop3A_271 : vector<16xi32> to vector<16xi32>
      %parallel_loop3A_273 = arith.constant 33152 : i32
      %parallel_loop3A_274 = vector.broadcast %parallel_loop3A_273 : i32 to vector<16xi32>
      %parallel_loop3A_275 = arith.cmpi ult, %parallel_loop3A_272, %parallel_loop3A_274 : vector<16xi32>
      %parallel_loop3A_276 = tpu.vector_load_idx %arg6[%parallel_loop3A_271] masked %parallel_loop3A_275 : memref<33408xf32, #tpu.memory_space<vmem>>[vector<16xi32>], vector<16xf32>, vector<16xi1>
      %parallel_loop3A_277 = arith.subf %parallel_loop3A_268, %parallel_loop3A_276 : vector<16xf32>
      %parallel_loop3A_278 = arith.constant 0.000000e+00 : f32
      %parallel_loop3A_279 = vector.broadcast %parallel_loop3A_278 : f32 to vector<16xf32>
      %parallel_loop3A_280 = arith.select %parallel_loop3A_275, %parallel_loop3A_277, %parallel_loop3A_279 : vector<16xi1>, vector<16xf32>
      %parallel_loop3A_281 = arith.mulf %parallel_loop3A_280, %parallel_loop3A_280 : vector<16xf32>
      %parallel_loop3A_282 = arith.addf %parallel_loop3A_222, %parallel_loop3A_281 : vector<16xf32>
      %parallel_loop3A_283 = arith.constant 99968 : i32
      %parallel_loop3A_284 = vector.broadcast %parallel_loop3A_283 : i32 to vector<16xi32>
      %parallel_loop3A_285 = arith.subi %parallel_loop3A_266, %parallel_loop3A_284 : vector<16xi32>
      %parallel_loop3A_286 = vector.bitcast %parallel_loop3A_285 : vector<16xi32> to vector<16xi32>
      %parallel_loop3A_287 = arith.constant 32 : i32
      %parallel_loop3A_288 = vector.broadcast %parallel_loop3A_287 : i32 to vector<16xi32>
      %parallel_loop3A_289 = arith.cmpi ult, %parallel_loop3A_286, %parallel_loop3A_288 : vector<16xi32>
      %parallel_loop3A_290 = tpu.vector_load_idx %arg8[%parallel_loop3A_285] masked %parallel_loop3A_289 : memref<32xf32, #tpu.memory_space<vmem>>[vector<16xi32>], vector<16xf32>, vector<16xi1>
      %parallel_loop3A_291 = arith.subf %parallel_loop3A_268, %parallel_loop3A_290 : vector<16xf32>
      %parallel_loop3A_292 = arith.constant 0.000000e+00 : f32
      %parallel_loop3A_293 = vector.broadcast %parallel_loop3A_292 : f32 to vector<16xf32>
      %parallel_loop3A_294 = arith.select %parallel_loop3A_289, %parallel_loop3A_291, %parallel_loop3A_293 : vector<16xi1>, vector<16xf32>
      %parallel_loop3A_295 = arith.mulf %parallel_loop3A_294, %parallel_loop3A_294 : vector<16xf32>
      %parallel_loop3A_296 = arith.addf %parallel_loop3A_282, %parallel_loop3A_295 : vector<16xf32>
      %parallel_loop3A_297 = arith.constant 2 : i32
      %parallel_loop3A_298 = arith.addi %parallel_loop3A_220, %parallel_loop3A_297 : i32
      %parallel_loop3A_299 = arith.constant 16 : i32
      %parallel_loop3A_300 = arith.muli %parallel_loop3A_298, %parallel_loop3A_299 : i32
      %parallel_loop3A_301 = arith.index_cast %parallel_loop3A_300 : i32 to index
      %parallel_loop3A_302 = tpu.vector_load %arg11[%parallel_loop3A_301] {strides = array<i32>} : memref<16384xi32, #tpu.memory_space<vmem>>, vector<16xi32>,
      %parallel_loop3A_303 = arith.index_cast %parallel_loop3A_300 : i32 to index
      %parallel_loop3A_304 = tpu.vector_load %arg9[%parallel_loop3A_303] {strides = array<i32>} : memref<16384xf32, #tpu.memory_space<vmem>>, vector<16xf32>,
      %parallel_loop3A_305 = arith.constant 66816 : i32
      %parallel_loop3A_306 = vector.broadcast %parallel_loop3A_305 : i32 to vector<16xi32>
      %parallel_loop3A_307 = arith.subi %parallel_loop3A_302, %parallel_loop3A_306 : vector<16xi32>
      %parallel_loop3A_308 = vector.bitcast %parallel_loop3A_307 : vector<16xi32> to vector<16xi32>
      %parallel_loop3A_309 = arith.constant 33152 : i32
      %parallel_loop3A_310 = vector.broadcast %parallel_loop3A_309 : i32 to vector<16xi32>
      %parallel_loop3A_311 = arith.cmpi ult, %parallel_loop3A_308, %parallel_loop3A_310 : vector<16xi32>
      %parallel_loop3A_312 = tpu.vector_load_idx %arg6[%parallel_loop3A_307] masked %parallel_loop3A_311 : memref<33408xf32, #tpu.memory_space<vmem>>[vector<16xi32>], vector<16xf32>, vector<16xi1>
      %parallel_loop3A_313 = arith.subf %parallel_loop3A_304, %parallel_loop3A_312 : vector<16xf32>
      %parallel_loop3A_314 = arith.constant 0.000000e+00 : f32
      %parallel_loop3A_315 = vector.broadcast %parallel_loop3A_314 : f32 to vector<16xf32>
      %parallel_loop3A_316 = arith.select %parallel_loop3A_311, %parallel_loop3A_313, %parallel_loop3A_315 : vector<16xi1>, vector<16xf32>
      %parallel_loop3A_317 = arith.mulf %parallel_loop3A_316, %parallel_loop3A_316 : vector<16xf32>
      %parallel_loop3A_318 = arith.addf %parallel_loop3A_223, %parallel_loop3A_317 : vector<16xf32>
      %parallel_loop3A_319 = arith.constant 99968 : i32
      %parallel_loop3A_320 = vector.broadcast %parallel_loop3A_319 : i32 to vector<16xi32>
      %parallel_loop3A_321 = arith.subi %parallel_loop3A_302, %parallel_loop3A_320 : vector<16xi32>
      %parallel_loop3A_322 = vector.bitcast %parallel_loop3A_321 : vector<16xi32> to vector<16xi32>
      %parallel_loop3A_323 = arith.constant 32 : i32
      %parallel_loop3A_324 = vector.broadcast %parallel_loop3A_323 : i32 to vector<16xi32>
      %parallel_loop3A_325 = arith.cmpi ult, %parallel_loop3A_322, %parallel_loop3A_324 : vector<16xi32>
      %parallel_loop3A_326 = tpu.vector_load_idx %arg8[%parallel_loop3A_321] masked %parallel_loop3A_325 : memref<32xf32, #tpu.memory_space<vmem>>[vector<16xi32>], vector<16xf32>, vector<16xi1>
      %parallel_loop3A_327 = arith.subf %parallel_loop3A_304, %parallel_loop3A_326 : vector<16xf32>
      %parallel_loop3A_328 = arith.constant 0.000000e+00 : f32
      %parallel_loop3A_329 = vector.broadcast %parallel_loop3A_328 : f32 to vector<16xf32>
      %parallel_loop3A_330 = arith.select %parallel_loop3A_325, %parallel_loop3A_327, %parallel_loop3A_329 : vector<16xi1>, vector<16xf32>
      %parallel_loop3A_331 = arith.mulf %parallel_loop3A_330, %parallel_loop3A_330 : vector<16xf32>
      %parallel_loop3A_332 = arith.addf %parallel_loop3A_318, %parallel_loop3A_331 : vector<16xf32>
      %parallel_loop3A_333 = arith.constant 3 : i32
      %parallel_loop3A_334 = arith.addi %parallel_loop3A_220, %parallel_loop3A_333 : i32
      %parallel_loop3A_335 = arith.constant 16 : i32
      %parallel_loop3A_336 = arith.muli %parallel_loop3A_334, %parallel_loop3A_335 : i32
      %parallel_loop3A_337 = arith.index_cast %parallel_loop3A_336 : i32 to index
      %parallel_loop3A_338 = tpu.vector_load %arg11[%parallel_loop3A_337] {strides = array<i32>} : memref<16384xi32, #tpu.memory_space<vmem>>, vector<16xi32>,
      %parallel_loop3A_339 = arith.index_cast %parallel_loop3A_336 : i32 to index
      %parallel_loop3A_340 = tpu.vector_load %arg9[%parallel_loop3A_339] {strides = array<i32>} : memref<16384xf32, #tpu.memory_space<vmem>>, vector<16xf32>,
      %parallel_loop3A_341 = arith.constant 66816 : i32
      %parallel_loop3A_342 = vector.broadcast %parallel_loop3A_341 : i32 to vector<16xi32>
      %parallel_loop3A_343 = arith.subi %parallel_loop3A_338, %parallel_loop3A_342 : vector<16xi32>
      %parallel_loop3A_344 = vector.bitcast %parallel_loop3A_343 : vector<16xi32> to vector<16xi32>
      %parallel_loop3A_345 = arith.constant 33152 : i32
      %parallel_loop3A_346 = vector.broadcast %parallel_loop3A_345 : i32 to vector<16xi32>
      %parallel_loop3A_347 = arith.cmpi ult, %parallel_loop3A_344, %parallel_loop3A_346 : vector<16xi32>
      %parallel_loop3A_348 = tpu.vector_load_idx %arg6[%parallel_loop3A_343] masked %parallel_loop3A_347 : memref<33408xf32, #tpu.memory_space<vmem>>[vector<16xi32>], vector<16xf32>, vector<16xi1>
      %parallel_loop3A_349 = arith.subf %parallel_loop3A_340, %parallel_loop3A_348 : vector<16xf32>
      %parallel_loop3A_350 = arith.constant 0.000000e+00 : f32
      %parallel_loop3A_351 = vector.broadcast %parallel_loop3A_350 : f32 to vector<16xf32>
      %parallel_loop3A_352 = arith.select %parallel_loop3A_347, %parallel_loop3A_349, %parallel_loop3A_351 : vector<16xi1>, vector<16xf32>
      %parallel_loop3A_353 = arith.mulf %parallel_loop3A_352, %parallel_loop3A_352 : vector<16xf32>
      %parallel_loop3A_354 = arith.addf %parallel_loop3A_224, %parallel_loop3A_353 : vector<16xf32>
      %parallel_loop3A_355 = arith.constant 99968 : i32
      %parallel_loop3A_356 = vector.broadcast %parallel_loop3A_355 : i32 to vector<16xi32>
      %parallel_loop3A_357 = arith.subi %parallel_loop3A_338, %parallel_loop3A_356 : vector<16xi32>
      %parallel_loop3A_358 = vector.bitcast %parallel_loop3A_357 : vector<16xi32> to vector<16xi32>
      %parallel_loop3A_359 = arith.constant 32 : i32
      %parallel_loop3A_360 = vector.broadcast %parallel_loop3A_359 : i32 to vector<16xi32>
      %parallel_loop3A_361 = arith.cmpi ult, %parallel_loop3A_358, %parallel_loop3A_360 : vector<16xi32>
      %parallel_loop3A_362 = tpu.vector_load_idx %arg8[%parallel_loop3A_357] masked %parallel_loop3A_361 : memref<32xf32, #tpu.memory_space<vmem>>[vector<16xi32>], vector<16xf32>, vector<16xi1>
      %parallel_loop3A_363 = arith.subf %parallel_loop3A_340, %parallel_loop3A_362 : vector<16xf32>
      %parallel_loop3A_364 = arith.constant 0.000000e+00 : f32
      %parallel_loop3A_365 = vector.broadcast %parallel_loop3A_364 : f32 to vector<16xf32>
      %parallel_loop3A_366 = arith.select %parallel_loop3A_361, %parallel_loop3A_363, %parallel_loop3A_365 : vector<16xi1>, vector<16xf32>
      %parallel_loop3A_367 = arith.mulf %parallel_loop3A_366, %parallel_loop3A_366 : vector<16xf32>
      %parallel_loop3A_368 = arith.addf %parallel_loop3A_354, %parallel_loop3A_367 : vector<16xf32>
      scf.yield %parallel_loop3A_260, %parallel_loop3A_296, %parallel_loop3A_332, %parallel_loop3A_368 : vector<16xf32>, vector<16xf32>, vector<16xf32>, vector<16xf32>
    } {sc.loop_unroll_factor = 2 : i64, sc.parallel_access}
    %dma_wait3A_131 = arith.constant 0 : i32
    %dma_wait3A_132 = tpu.memref_slice %arg7[%dma_wait3A_131] : memref<33408xf32, #tpu.memory_space<vmem>> -> memref<33408xf32, #tpu.memory_space<vmem>>
    %dma_wait3A_133 = arith.constant 0 : i32
    %dma_wait3A_134 = tpu.memref_slice %arg4[%add3A_112, %dma_wait3A_133] : memref<64x100000xf32, #tpu.memory_space<hbm>> -> memref<1x33408xf32, #tpu.memory_space<hbm>>
    %dma_wait3A_135 = tpu.memref_squeeze %dma_wait3A_134 : memref<1x33408xf32, #tpu.memory_space<hbm>> -> memref<33408xf32, #tpu.memory_space<hbm>>
    %dma_wait3A_136 = arith.constant 0 : i32
    %dma_wait3A_137 = tpu.memref_slice %arg7[%dma_wait3A_136] : memref<33408xf32, #tpu.memory_space<vmem>> -> memref<33408xf32, #tpu.memory_space<vmem>>
    %dma_wait3A_138 = arith.constant 0 : i32
    %dma_wait3A_139 = tpu.memref_slice %arg4[%add3A_112, %dma_wait3A_138] : memref<64x100000xf32, #tpu.memory_space<hbm>> -> memref<1x33408xf32, #tpu.memory_space<hbm>>
    %dma_wait3A_140 = tpu.memref_squeeze %dma_wait3A_139 : memref<1x33408xf32, #tpu.memory_space<hbm>> -> memref<33408xf32, #tpu.memory_space<hbm>>
    tpu.wait_dma2 semaphore(%arg14 : memref<!tpu.dma_semaphore, #tpu.memory_space<semaphore_mem>>) src(%dma_wait3A_140 : memref<33408xf32, #tpu.memory_space<hbm>>) dst(%dma_wait3A_137 : memref<33408xf32, #tpu.memory_space<vmem>>)
    %mul3A_141 = arith.constant 2 : i32
    %mul3A_142 = arith.muli %add3A, %mul3A_141 : i32
    %add3A_143 = arith.constant 1 : i32
    %add3A_144 = arith.addi %mul3A_142, %add3A_143 : i32
    %dma_start3A_145 = arith.constant 0 : i32
    %dma_start3A_146 = tpu.memref_slice %arg6[%dma_start3A_145] : memref<33408xf32, #tpu.memory_space<vmem>> -> memref<33408xf32, #tpu.memory_space<vmem>>
    %dma_start3A_147 = arith.constant 33408 : i32
    %dma_start3A_148 = tpu.memref_slice %arg4[%add3A_144, %dma_start3A_147] : memref<64x100000xf32, #tpu.memory_space<hbm>> -> memref<1x33408xf32, #tpu.memory_space<hbm>>
    %dma_start3A_149 = tpu.memref_squeeze %dma_start3A_148 : memref<1x33408xf32, #tpu.memory_space<hbm>> -> memref<33408xf32, #tpu.memory_space<hbm>>
    %dma_start3A_150 = arith.constant 0 : i32
    %dma_start3A_151 = tpu.memref_slice %arg6[%dma_start3A_150] : memref<33408xf32, #tpu.memory_space<vmem>> -> memref<33408xf32, #tpu.memory_space<vmem>>
    %dma_start3A_152 = arith.constant 33408 : i32
    %dma_start3A_153 = tpu.memref_slice %arg4[%add3A_144, %dma_start3A_152] : memref<64x100000xf32, #tpu.memory_space<hbm>> -> memref<1x33408xf32, #tpu.memory_space<hbm>>
    %dma_start3A_154 = tpu.memref_squeeze %dma_start3A_153 : memref<1x33408xf32, #tpu.memory_space<hbm>> -> memref<33408xf32, #tpu.memory_space<hbm>>
    tpu.enqueue_dma source(%dma_start3A_154 : memref<33408xf32, #tpu.memory_space<hbm>>) target(%dma_start3A_151 : memref<33408xf32, #tpu.memory_space<vmem>>) target_semaphore(%arg13 : memref<!tpu.dma_semaphore, #tpu.memory_space<semaphore_mem>>)
    %dma_wait3A_155 = arith.constant 0 : i32
    %dma_wait3A_156 = tpu.memref_slice %arg2[%add3A_88, %dma_wait3A_155] : memref<64x16384xf32, #tpu.memory_space<hbm>> -> memref<1x16384xf32, #tpu.memory_space<hbm>>
    %dma_wait3A_157 = tpu.memref_squeeze %dma_wait3A_156 : memref<1x16384xf32, #tpu.memory_space<hbm>> -> memref<16384xf32, #tpu.memory_space<hbm>>
    %dma_wait3A_158 = arith.constant 0 : i32
    %dma_wait3A_159 = tpu.memref_slice %arg2[%add3A_88, %dma_wait3A_158] : memref<64x16384xf32, #tpu.memory_space<hbm>> -> memref<1x16384xf32, #tpu.memory_space<hbm>>
    %dma_wait3A_160 = tpu.memref_squeeze %dma_wait3A_159 : memref<1x16384xf32, #tpu.memory_space<hbm>> -> memref<16384xf32, #tpu.memory_space<hbm>>
    tpu.wait_dma2 semaphore(%arg15 : memref<!tpu.dma_semaphore, #tpu.memory_space<semaphore_mem>>) src(%dma_wait3A_160 : memref<16384xf32, #tpu.memory_space<hbm>>) dst(%arg10 : memref<16384xf32, #tpu.memory_space<vmem>>)
    %parallel_loop3A_161 = arith.constant 0 : i32
    %parallel_loop3A_162 = arith.constant 1024 : i32
    %parallel_loop3A_163 = arith.constant 4 : i32
    %parallel_loop3A_164:4 = scf.for %parallel_loop3A_220 = %parallel_loop3A_161 to %parallel_loop3A_162 step %parallel_loop3A_163 iter_args(%parallel_loop3A_221 = %parallel_loop3A_130#0, %parallel_loop3A_222 = %parallel_loop3A_130#1, %parallel_loop3A_223 = %parallel_loop3A_130#2, %parallel_loop3A_224 = %parallel_loop3A_130#3) -> (vector<16xf32>, vector<16xf32>, vector<16xf32>, vector<16xf32>)  : i32 {
      %parallel_loop3A_225 = arith.constant 0 : i32
      %parallel_loop3A_226 = arith.addi %parallel_loop3A_220, %parallel_loop3A_225 : i32
      %parallel_loop3A_227 = arith.constant 16 : i32
      %parallel_loop3A_228 = arith.muli %parallel_loop3A_226, %parallel_loop3A_227 : i32
      %parallel_loop3A_229 = arith.index_cast %parallel_loop3A_228 : i32 to index
      %parallel_loop3A_230 = tpu.vector_load %arg11[%parallel_loop3A_229] {strides = array<i32>} : memref<16384xi32, #tpu.memory_space<vmem>>, vector<16xi32>,
      %parallel_loop3A_231 = arith.index_cast %parallel_loop3A_228 : i32 to index
      %parallel_loop3A_232 = tpu.vector_load %arg10[%parallel_loop3A_231] {strides = array<i32>} : memref<16384xf32, #tpu.memory_space<vmem>>, vector<16xf32>,
      %parallel_loop3A_233 = arith.constant 0 : i32
      %parallel_loop3A_234 = vector.broadcast %parallel_loop3A_233 : i32 to vector<16xi32>
      %parallel_loop3A_235 = arith.subi %parallel_loop3A_230, %parallel_loop3A_234 : vector<16xi32>
      %parallel_loop3A_236 = vector.bitcast %parallel_loop3A_235 : vector<16xi32> to vector<16xi32>
      %parallel_loop3A_237 = arith.constant 33408 : i32
      %parallel_loop3A_238 = vector.broadcast %parallel_loop3A_237 : i32 to vector<16xi32>
      %parallel_loop3A_239 = arith.cmpi ult, %parallel_loop3A_236, %parallel_loop3A_238 : vector<16xi32>
      %parallel_loop3A_240 = tpu.vector_load_idx %arg7[%parallel_loop3A_235] masked %parallel_loop3A_239 : memref<33408xf32, #tpu.memory_space<vmem>>[vector<16xi32>], vector<16xf32>, vector<16xi1>
      %parallel_loop3A_241 = arith.subf %parallel_loop3A_232, %parallel_loop3A_240 : vector<16xf32>
      %parallel_loop3A_242 = arith.constant 0.000000e+00 : f32
      %parallel_loop3A_243 = vector.broadcast %parallel_loop3A_242 : f32 to vector<16xf32>
      %parallel_loop3A_244 = arith.select %parallel_loop3A_239, %parallel_loop3A_241, %parallel_loop3A_243 : vector<16xi1>, vector<16xf32>
      %parallel_loop3A_245 = arith.mulf %parallel_loop3A_244, %parallel_loop3A_244 : vector<16xf32>
      %parallel_loop3A_246 = arith.addf %parallel_loop3A_221, %parallel_loop3A_245 : vector<16xf32>
      %parallel_loop3A_247 = arith.constant 1 : i32
      %parallel_loop3A_248 = arith.addi %parallel_loop3A_220, %parallel_loop3A_247 : i32
      %parallel_loop3A_249 = arith.constant 16 : i32
      %parallel_loop3A_250 = arith.muli %parallel_loop3A_248, %parallel_loop3A_249 : i32
      %parallel_loop3A_251 = arith.index_cast %parallel_loop3A_250 : i32 to index
      %parallel_loop3A_252 = tpu.vector_load %arg11[%parallel_loop3A_251] {strides = array<i32>} : memref<16384xi32, #tpu.memory_space<vmem>>, vector<16xi32>,
      %parallel_loop3A_253 = arith.index_cast %parallel_loop3A_250 : i32 to index
      %parallel_loop3A_254 = tpu.vector_load %arg10[%parallel_loop3A_253] {strides = array<i32>} : memref<16384xf32, #tpu.memory_space<vmem>>, vector<16xf32>,
      %parallel_loop3A_255 = arith.constant 0 : i32
      %parallel_loop3A_256 = vector.broadcast %parallel_loop3A_255 : i32 to vector<16xi32>
      %parallel_loop3A_257 = arith.subi %parallel_loop3A_252, %parallel_loop3A_256 : vector<16xi32>
      %parallel_loop3A_258 = vector.bitcast %parallel_loop3A_257 : vector<16xi32> to vector<16xi32>
      %parallel_loop3A_259 = arith.constant 33408 : i32
      %parallel_loop3A_260 = vector.broadcast %parallel_loop3A_259 : i32 to vector<16xi32>
      %parallel_loop3A_261 = arith.cmpi ult, %parallel_loop3A_258, %parallel_loop3A_260 : vector<16xi32>
      %parallel_loop3A_262 = tpu.vector_load_idx %arg7[%parallel_loop3A_257] masked %parallel_loop3A_261 : memref<33408xf32, #tpu.memory_space<vmem>>[vector<16xi32>], vector<16xf32>, vector<16xi1>
      %parallel_loop3A_263 = arith.subf %parallel_loop3A_254, %parallel_loop3A_262 : vector<16xf32>
      %parallel_loop3A_264 = arith.constant 0.000000e+00 : f32
      %parallel_loop3A_265 = vector.broadcast %parallel_loop3A_264 : f32 to vector<16xf32>
      %parallel_loop3A_266 = arith.select %parallel_loop3A_261, %parallel_loop3A_263, %parallel_loop3A_265 : vector<16xi1>, vector<16xf32>
      %parallel_loop3A_267 = arith.mulf %parallel_loop3A_266, %parallel_loop3A_266 : vector<16xf32>
      %parallel_loop3A_268 = arith.addf %parallel_loop3A_222, %parallel_loop3A_267 : vector<16xf32>
      %parallel_loop3A_269 = arith.constant 2 : i32
      %parallel_loop3A_270 = arith.addi %parallel_loop3A_220, %parallel_loop3A_269 : i32
      %parallel_loop3A_271 = arith.constant 16 : i32
      %parallel_loop3A_272 = arith.muli %parallel_loop3A_270, %parallel_loop3A_271 : i32
      %parallel_loop3A_273 = arith.index_cast %parallel_loop3A_272 : i32 to index
      %parallel_loop3A_274 = tpu.vector_load %arg11[%parallel_loop3A_273] {strides = array<i32>} : memref<16384xi32, #tpu.memory_space<vmem>>, vector<16xi32>,
      %parallel_loop3A_275 = arith.index_cast %parallel_loop3A_272 : i32 to index
      %parallel_loop3A_276 = tpu.vector_load %arg10[%parallel_loop3A_275] {strides = array<i32>} : memref<16384xf32, #tpu.memory_space<vmem>>, vector<16xf32>,
      %parallel_loop3A_277 = arith.constant 0 : i32
      %parallel_loop3A_278 = vector.broadcast %parallel_loop3A_277 : i32 to vector<16xi32>
      %parallel_loop3A_279 = arith.subi %parallel_loop3A_274, %parallel_loop3A_278 : vector<16xi32>
      %parallel_loop3A_280 = vector.bitcast %parallel_loop3A_279 : vector<16xi32> to vector<16xi32>
      %parallel_loop3A_281 = arith.constant 33408 : i32
      %parallel_loop3A_282 = vector.broadcast %parallel_loop3A_281 : i32 to vector<16xi32>
      %parallel_loop3A_283 = arith.cmpi ult, %parallel_loop3A_280, %parallel_loop3A_282 : vector<16xi32>
      %parallel_loop3A_284 = tpu.vector_load_idx %arg7[%parallel_loop3A_279] masked %parallel_loop3A_283 : memref<33408xf32, #tpu.memory_space<vmem>>[vector<16xi32>], vector<16xf32>, vector<16xi1>
      %parallel_loop3A_285 = arith.subf %parallel_loop3A_276, %parallel_loop3A_284 : vector<16xf32>
      %parallel_loop3A_286 = arith.constant 0.000000e+00 : f32
      %parallel_loop3A_287 = vector.broadcast %parallel_loop3A_286 : f32 to vector<16xf32>
      %parallel_loop3A_288 = arith.select %parallel_loop3A_283, %parallel_loop3A_285, %parallel_loop3A_287 : vector<16xi1>, vector<16xf32>
      %parallel_loop3A_289 = arith.mulf %parallel_loop3A_288, %parallel_loop3A_288 : vector<16xf32>
      %parallel_loop3A_290 = arith.addf %parallel_loop3A_223, %parallel_loop3A_289 : vector<16xf32>
      %parallel_loop3A_291 = arith.constant 3 : i32
      %parallel_loop3A_292 = arith.addi %parallel_loop3A_220, %parallel_loop3A_291 : i32
      %parallel_loop3A_293 = arith.constant 16 : i32
      %parallel_loop3A_294 = arith.muli %parallel_loop3A_292, %parallel_loop3A_293 : i32
      %parallel_loop3A_295 = arith.index_cast %parallel_loop3A_294 : i32 to index
      %parallel_loop3A_296 = tpu.vector_load %arg11[%parallel_loop3A_295] {strides = array<i32>} : memref<16384xi32, #tpu.memory_space<vmem>>, vector<16xi32>,
      %parallel_loop3A_297 = arith.index_cast %parallel_loop3A_294 : i32 to index
      %parallel_loop3A_298 = tpu.vector_load %arg10[%parallel_loop3A_297] {strides = array<i32>} : memref<16384xf32, #tpu.memory_space<vmem>>, vector<16xf32>,
      %parallel_loop3A_299 = arith.constant 0 : i32
      %parallel_loop3A_300 = vector.broadcast %parallel_loop3A_299 : i32 to vector<16xi32>
      %parallel_loop3A_301 = arith.subi %parallel_loop3A_296, %parallel_loop3A_300 : vector<16xi32>
      %parallel_loop3A_302 = vector.bitcast %parallel_loop3A_301 : vector<16xi32> to vector<16xi32>
      %parallel_loop3A_303 = arith.constant 33408 : i32
      %parallel_loop3A_304 = vector.broadcast %parallel_loop3A_303 : i32 to vector<16xi32>
      %parallel_loop3A_305 = arith.cmpi ult, %parallel_loop3A_302, %parallel_loop3A_304 : vector<16xi32>
      %parallel_loop3A_306 = tpu.vector_load_idx %arg7[%parallel_loop3A_301] masked %parallel_loop3A_305 : memref<33408xf32, #tpu.memory_space<vmem>>[vector<16xi32>], vector<16xf32>, vector<16xi1>
      %parallel_loop3A_307 = arith.subf %parallel_loop3A_298, %parallel_loop3A_306 : vector<16xf32>
      %parallel_loop3A_308 = arith.constant 0.000000e+00 : f32
      %parallel_loop3A_309 = vector.broadcast %parallel_loop3A_308 : f32 to vector<16xf32>
      %parallel_loop3A_310 = arith.select %parallel_loop3A_305, %parallel_loop3A_307, %parallel_loop3A_309 : vector<16xi1>, vector<16xf32>
      %parallel_loop3A_311 = arith.mulf %parallel_loop3A_310, %parallel_loop3A_310 : vector<16xf32>
      %parallel_loop3A_312 = arith.addf %parallel_loop3A_224, %parallel_loop3A_311 : vector<16xf32>
      scf.yield %parallel_loop3A_246, %parallel_loop3A_268, %parallel_loop3A_290, %parallel_loop3A_312 : vector<16xf32>, vector<16xf32>, vector<16xf32>, vector<16xf32>
    } {sc.loop_unroll_factor = 2 : i64, sc.parallel_access}
    %dma_wait3A_165 = arith.constant 0 : i32
    %dma_wait3A_166 = tpu.memref_slice %arg6[%dma_wait3A_165] : memref<33408xf32, #tpu.memory_space<vmem>> -> memref<33408xf32, #tpu.memory_space<vmem>>
    %dma_wait3A_167 = arith.constant 33408 : i32
    %dma_wait3A_168 = tpu.memref_slice %arg4[%add3A_144, %dma_wait3A_167] : memref<64x100000xf32, #tpu.memory_space<hbm>> -> memref<1x33408xf32, #tpu.memory_space<hbm>>
    %dma_wait3A_169 = tpu.memref_squeeze %dma_wait3A_168 : memref<1x33408xf32, #tpu.memory_space<hbm>> -> memref<33408xf32, #tpu.memory_space<hbm>>
    %dma_wait3A_170 = arith.constant 0 : i32
    %dma_wait3A_171 = tpu.memref_slice %arg6[%dma_wait3A_170] : memref<33408xf32, #tpu.memory_space<vmem>> -> memref<33408xf32, #tpu.memory_space<vmem>>
    %dma_wait3A_172 = arith.constant 33408 : i32
    %dma_wait3A_173 = tpu.memref_slice %arg4[%add3A_144, %dma_wait3A_172] : memref<64x100000xf32, #tpu.memory_space<hbm>> -> memref<1x33408xf32, #tpu.memory_space<hbm>>
    %dma_wait3A_174 = tpu.memref_squeeze %dma_wait3A_173 : memref<1x33408xf32, #tpu.memory_space<hbm>> -> memref<33408xf32, #tpu.memory_space<hbm>>
    tpu.wait_dma2 semaphore(%arg13 : memref<!tpu.dma_semaphore, #tpu.memory_space<semaphore_mem>>) src(%dma_wait3A_174 : memref<33408xf32, #tpu.memory_space<hbm>>) dst(%dma_wait3A_171 : memref<33408xf32, #tpu.memory_space<vmem>>)
    %mul3A_175 = arith.constant 2 : i32
    %mul3A_176 = arith.muli %add3A, %mul3A_175 : i32
    %add3A_177 = arith.constant 1 : i32
    %add3A_178 = arith.addi %mul3A_176, %add3A_177 : i32
    %dma_start3A_179 = arith.constant 0 : i32
    %dma_start3A_180 = tpu.memref_slice %arg7[%dma_start3A_179] : memref<33408xf32, #tpu.memory_space<vmem>> -> memref<33152xf32, #tpu.memory_space<vmem>>
    %dma_start3A_181 = arith.constant 66816 : i32
    %dma_start3A_182 = tpu.memref_slice %arg4[%add3A_178, %dma_start3A_181] : memref<64x100000xf32, #tpu.memory_space<hbm>> -> memref<1x33152xf32, #tpu.memory_space<hbm>>
    %dma_start3A_183 = tpu.memref_squeeze %dma_start3A_182 : memref<1x33152xf32, #tpu.memory_space<hbm>> -> memref<33152xf32, #tpu.memory_space<hbm>>
    %dma_start3A_184 = arith.constant 0 : i32
    %dma_start3A_185 = tpu.memref_slice %arg7[%dma_start3A_184] : memref<33408xf32, #tpu.memory_space<vmem>> -> memref<33152xf32, #tpu.memory_space<vmem>>
    %dma_start3A_186 = arith.constant 66816 : i32
    %dma_start3A_187 = tpu.memref_slice %arg4[%add3A_178, %dma_start3A_186] : memref<64x100000xf32, #tpu.memory_space<hbm>> -> memref<1x33152xf32, #tpu.memory_space<hbm>>
    %dma_start3A_188 = tpu.memref_squeeze %dma_start3A_187 : memref<1x33152xf32, #tpu.memory_space<hbm>> -> memref<33152xf32, #tpu.memory_space<hbm>>
    tpu.enqueue_dma source(%dma_start3A_188 : memref<33152xf32, #tpu.memory_space<hbm>>) target(%dma_start3A_185 : memref<33152xf32, #tpu.memory_space<vmem>>) target_semaphore(%arg14 : memref<!tpu.dma_semaphore, #tpu.memory_space<semaphore_mem>>)
    %parallel_loop3A_189 = arith.constant 0 : i32
    %parallel_loop3A_190 = arith.constant 1024 : i32
    %parallel_loop3A_191 = arith.constant 4 : i32
    %parallel_loop3A_192:4 = scf.for %parallel_loop3A_220 = %parallel_loop3A_189 to %parallel_loop3A_190 step %parallel_loop3A_191 iter_args(%parallel_loop3A_221 = %parallel_loop3A_164#0, %parallel_loop3A_222 = %parallel_loop3A_164#1, %parallel_loop3A_223 = %parallel_loop3A_164#2, %parallel_loop3A_224 = %parallel_loop3A_164#3) -> (vector<16xf32>, vector<16xf32>, vector<16xf32>, vector<16xf32>)  : i32 {
      %parallel_loop3A_225 = arith.constant 0 : i32
      %parallel_loop3A_226 = arith.addi %parallel_loop3A_220, %parallel_loop3A_225 : i32
      %parallel_loop3A_227 = arith.constant 16 : i32
      %parallel_loop3A_228 = arith.muli %parallel_loop3A_226, %parallel_loop3A_227 : i32
      %parallel_loop3A_229 = arith.index_cast %parallel_loop3A_228 : i32 to index
      %parallel_loop3A_230 = tpu.vector_load %arg11[%parallel_loop3A_229] {strides = array<i32>} : memref<16384xi32, #tpu.memory_space<vmem>>, vector<16xi32>,
      %parallel_loop3A_231 = arith.index_cast %parallel_loop3A_228 : i32 to index
      %parallel_loop3A_232 = tpu.vector_load %arg10[%parallel_loop3A_231] {strides = array<i32>} : memref<16384xf32, #tpu.memory_space<vmem>>, vector<16xf32>,
      %parallel_loop3A_233 = arith.constant 33408 : i32
      %parallel_loop3A_234 = vector.broadcast %parallel_loop3A_233 : i32 to vector<16xi32>
      %parallel_loop3A_235 = arith.subi %parallel_loop3A_230, %parallel_loop3A_234 : vector<16xi32>
      %parallel_loop3A_236 = vector.bitcast %parallel_loop3A_235 : vector<16xi32> to vector<16xi32>
      %parallel_loop3A_237 = arith.constant 33408 : i32
      %parallel_loop3A_238 = vector.broadcast %parallel_loop3A_237 : i32 to vector<16xi32>
      %parallel_loop3A_239 = arith.cmpi ult, %parallel_loop3A_236, %parallel_loop3A_238 : vector<16xi32>
      %parallel_loop3A_240 = tpu.vector_load_idx %arg6[%parallel_loop3A_235] masked %parallel_loop3A_239 : memref<33408xf32, #tpu.memory_space<vmem>>[vector<16xi32>], vector<16xf32>, vector<16xi1>
      %parallel_loop3A_241 = arith.subf %parallel_loop3A_232, %parallel_loop3A_240 : vector<16xf32>
      %parallel_loop3A_242 = arith.constant 0.000000e+00 : f32
      %parallel_loop3A_243 = vector.broadcast %parallel_loop3A_242 : f32 to vector<16xf32>
      %parallel_loop3A_244 = arith.select %parallel_loop3A_239, %parallel_loop3A_241, %parallel_loop3A_243 : vector<16xi1>, vector<16xf32>
      %parallel_loop3A_245 = arith.mulf %parallel_loop3A_244, %parallel_loop3A_244 : vector<16xf32>
      %parallel_loop3A_246 = arith.addf %parallel_loop3A_221, %parallel_loop3A_245 : vector<16xf32>
      %parallel_loop3A_247 = arith.constant 1 : i32
      %parallel_loop3A_248 = arith.addi %parallel_loop3A_220, %parallel_loop3A_247 : i32
      %parallel_loop3A_249 = arith.constant 16 : i32
      %parallel_loop3A_250 = arith.muli %parallel_loop3A_248, %parallel_loop3A_249 : i32
      %parallel_loop3A_251 = arith.index_cast %parallel_loop3A_250 : i32 to index
      %parallel_loop3A_252 = tpu.vector_load %arg11[%parallel_loop3A_251] {strides = array<i32>} : memref<16384xi32, #tpu.memory_space<vmem>>, vector<16xi32>,
      %parallel_loop3A_253 = arith.index_cast %parallel_loop3A_250 : i32 to index
      %parallel_loop3A_254 = tpu.vector_load %arg10[%parallel_loop3A_253] {strides = array<i32>} : memref<16384xf32, #tpu.memory_space<vmem>>, vector<16xf32>,
      %parallel_loop3A_255 = arith.constant 33408 : i32
      %parallel_loop3A_256 = vector.broadcast %parallel_loop3A_255 : i32 to vector<16xi32>
      %parallel_loop3A_257 = arith.subi %parallel_loop3A_252, %parallel_loop3A_256 : vector<16xi32>
      %parallel_loop3A_258 = vector.bitcast %parallel_loop3A_257 : vector<16xi32> to vector<16xi32>
      %parallel_loop3A_259 = arith.constant 33408 : i32
      %parallel_loop3A_260 = vector.broadcast %parallel_loop3A_259 : i32 to vector<16xi32>
      %parallel_loop3A_261 = arith.cmpi ult, %parallel_loop3A_258, %parallel_loop3A_260 : vector<16xi32>
      %parallel_loop3A_262 = tpu.vector_load_idx %arg6[%parallel_loop3A_257] masked %parallel_loop3A_261 : memref<33408xf32, #tpu.memory_space<vmem>>[vector<16xi32>], vector<16xf32>, vector<16xi1>
      %parallel_loop3A_263 = arith.subf %parallel_loop3A_254, %parallel_loop3A_262 : vector<16xf32>
      %parallel_loop3A_264 = arith.constant 0.000000e+00 : f32
      %parallel_loop3A_265 = vector.broadcast %parallel_loop3A_264 : f32 to vector<16xf32>
      %parallel_loop3A_266 = arith.select %parallel_loop3A_261, %parallel_loop3A_263, %parallel_loop3A_265 : vector<16xi1>, vector<16xf32>
      %parallel_loop3A_267 = arith.mulf %parallel_loop3A_266, %parallel_loop3A_266 : vector<16xf32>
      %parallel_loop3A_268 = arith.addf %parallel_loop3A_222, %parallel_loop3A_267 : vector<16xf32>
      %parallel_loop3A_269 = arith.constant 2 : i32
      %parallel_loop3A_270 = arith.addi %parallel_loop3A_220, %parallel_loop3A_269 : i32
      %parallel_loop3A_271 = arith.constant 16 : i32
      %parallel_loop3A_272 = arith.muli %parallel_loop3A_270, %parallel_loop3A_271 : i32
      %parallel_loop3A_273 = arith.index_cast %parallel_loop3A_272 : i32 to index
      %parallel_loop3A_274 = tpu.vector_load %arg11[%parallel_loop3A_273] {strides = array<i32>} : memref<16384xi32, #tpu.memory_space<vmem>>, vector<16xi32>,
      %parallel_loop3A_275 = arith.index_cast %parallel_loop3A_272 : i32 to index
      %parallel_loop3A_276 = tpu.vector_load %arg10[%parallel_loop3A_275] {strides = array<i32>} : memref<16384xf32, #tpu.memory_space<vmem>>, vector<16xf32>,
      %parallel_loop3A_277 = arith.constant 33408 : i32
      %parallel_loop3A_278 = vector.broadcast %parallel_loop3A_277 : i32 to vector<16xi32>
      %parallel_loop3A_279 = arith.subi %parallel_loop3A_274, %parallel_loop3A_278 : vector<16xi32>
      %parallel_loop3A_280 = vector.bitcast %parallel_loop3A_279 : vector<16xi32> to vector<16xi32>
      %parallel_loop3A_281 = arith.constant 33408 : i32
      %parallel_loop3A_282 = vector.broadcast %parallel_loop3A_281 : i32 to vector<16xi32>
      %parallel_loop3A_283 = arith.cmpi ult, %parallel_loop3A_280, %parallel_loop3A_282 : vector<16xi32>
      %parallel_loop3A_284 = tpu.vector_load_idx %arg6[%parallel_loop3A_279] masked %parallel_loop3A_283 : memref<33408xf32, #tpu.memory_space<vmem>>[vector<16xi32>], vector<16xf32>, vector<16xi1>
      %parallel_loop3A_285 = arith.subf %parallel_loop3A_276, %parallel_loop3A_284 : vector<16xf32>
      %parallel_loop3A_286 = arith.constant 0.000000e+00 : f32
      %parallel_loop3A_287 = vector.broadcast %parallel_loop3A_286 : f32 to vector<16xf32>
      %parallel_loop3A_288 = arith.select %parallel_loop3A_283, %parallel_loop3A_285, %parallel_loop3A_287 : vector<16xi1>, vector<16xf32>
      %parallel_loop3A_289 = arith.mulf %parallel_loop3A_288, %parallel_loop3A_288 : vector<16xf32>
      %parallel_loop3A_290 = arith.addf %parallel_loop3A_223, %parallel_loop3A_289 : vector<16xf32>
      %parallel_loop3A_291 = arith.constant 3 : i32
      %parallel_loop3A_292 = arith.addi %parallel_loop3A_220, %parallel_loop3A_291 : i32
      %parallel_loop3A_293 = arith.constant 16 : i32
      %parallel_loop3A_294 = arith.muli %parallel_loop3A_292, %parallel_loop3A_293 : i32
      %parallel_loop3A_295 = arith.index_cast %parallel_loop3A_294 : i32 to index
      %parallel_loop3A_296 = tpu.vector_load %arg11[%parallel_loop3A_295] {strides = array<i32>} : memref<16384xi32, #tpu.memory_space<vmem>>, vector<16xi32>,
      %parallel_loop3A_297 = arith.index_cast %parallel_loop3A_294 : i32 to index
      %parallel_loop3A_298 = tpu.vector_load %arg10[%parallel_loop3A_297] {strides = array<i32>} : memref<16384xf32, #tpu.memory_space<vmem>>, vector<16xf32>,
      %parallel_loop3A_299 = arith.constant 33408 : i32
      %parallel_loop3A_300 = vector.broadcast %parallel_loop3A_299 : i32 to vector<16xi32>
      %parallel_loop3A_301 = arith.subi %parallel_loop3A_296, %parallel_loop3A_300 : vector<16xi32>
      %parallel_loop3A_302 = vector.bitcast %parallel_loop3A_301 : vector<16xi32> to vector<16xi32>
      %parallel_loop3A_303 = arith.constant 33408 : i32
      %parallel_loop3A_304 = vector.broadcast %parallel_loop3A_303 : i32 to vector<16xi32>
      %parallel_loop3A_305 = arith.cmpi ult, %parallel_loop3A_302, %parallel_loop3A_304 : vector<16xi32>
      %parallel_loop3A_306 = tpu.vector_load_idx %arg6[%parallel_loop3A_301] masked %parallel_loop3A_305 : memref<33408xf32, #tpu.memory_space<vmem>>[vector<16xi32>], vector<16xf32>, vector<16xi1>
      %parallel_loop3A_307 = arith.subf %parallel_loop3A_298, %parallel_loop3A_306 : vector<16xf32>
      %parallel_loop3A_308 = arith.constant 0.000000e+00 : f32
      %parallel_loop3A_309 = vector.broadcast %parallel_loop3A_308 : f32 to vector<16xf32>
      %parallel_loop3A_310 = arith.select %parallel_loop3A_305, %parallel_loop3A_307, %parallel_loop3A_309 : vector<16xi1>, vector<16xf32>
      %parallel_loop3A_311 = arith.mulf %parallel_loop3A_310, %parallel_loop3A_310 : vector<16xf32>
      %parallel_loop3A_312 = arith.addf %parallel_loop3A_224, %parallel_loop3A_311 : vector<16xf32>
      scf.yield %parallel_loop3A_246, %parallel_loop3A_268, %parallel_loop3A_290, %parallel_loop3A_312 : vector<16xf32>, vector<16xf32>, vector<16xf32>, vector<16xf32>
    } {sc.loop_unroll_factor = 2 : i64, sc.parallel_access}
    %dma_wait3A_193 = arith.constant 0 : i32
    %dma_wait3A_194 = tpu.memref_slice %arg7[%dma_wait3A_193] : memref<33408xf32, #tpu.memory_space<vmem>> -> memref<33152xf32, #tpu.memory_space<vmem>>
    %dma_wait3A_195 = arith.constant 66816 : i32
    %dma_wait3A_196 = tpu.memref_slice %arg4[%add3A_178, %dma_wait3A_195] : memref<64x100000xf32, #tpu.memory_space<hbm>> -> memref<1x33152xf32, #tpu.memory_space<hbm>>
    %dma_wait3A_197 = tpu.memref_squeeze %dma_wait3A_196 : memref<1x33152xf32, #tpu.memory_space<hbm>> -> memref<33152xf32, #tpu.memory_space<hbm>>
    %dma_wait3A_198 = arith.constant 0 : i32
    %dma_wait3A_199 = tpu.memref_slice %arg7[%dma_wait3A_198] : memref<33408xf32, #tpu.memory_space<vmem>> -> memref<33152xf32, #tpu.memory_space<vmem>>
    %dma_wait3A_200 = arith.constant 66816 : i32
    %dma_wait3A_201 = tpu.memref_slice %arg4[%add3A_178, %dma_wait3A_200] : memref<64x100000xf32, #tpu.memory_space<hbm>> -> memref<1x33152xf32, #tpu.memory_space<hbm>>
    %dma_wait3A_202 = tpu.memref_squeeze %dma_wait3A_201 : memref<1x33152xf32, #tpu.memory_space<hbm>> -> memref<33152xf32, #tpu.memory_space<hbm>>
    tpu.wait_dma2 semaphore(%arg14 : memref<!tpu.dma_semaphore, #tpu.memory_space<semaphore_mem>>) src(%dma_wait3A_202 : memref<33152xf32, #tpu.memory_space<hbm>>) dst(%dma_wait3A_199 : memref<33152xf32, #tpu.memory_space<vmem>>)
    %mul3A_203 = arith.constant 2 : i32
    %mul3A_204 = arith.muli %add3A, %mul3A_203 : i32
    %add3A_205 = arith.constant 1 : i32
    %add3A_206 = arith.addi %mul3A_204, %add3A_205 : i32
    "tpu.region"() ({
      %run_scoped3A = tpu.sem_alloc : memref<!tpu.dma_semaphore, #tpu.memory_space<semaphore_mem>>
      %dma_start3A_220 = arith.constant 99968 : i32
      %dma_start3A_221 = tpu.memref_slice %arg4[%add3A_206, %dma_start3A_220] : memref<64x100000xf32, #tpu.memory_space<hbm>> -> memref<1x32xf32, #tpu.memory_space<hbm>>
      %dma_start3A_222 = tpu.memref_squeeze %dma_start3A_221 : memref<1x32xf32, #tpu.memory_space<hbm>> -> memref<32xf32, #tpu.memory_space<hbm>>
      %dma_start3A_223 = arith.constant 99968 : i32
      %dma_start3A_224 = tpu.memref_slice %arg4[%add3A_206, %dma_start3A_223] : memref<64x100000xf32, #tpu.memory_space<hbm>> -> memref<1x32xf32, #tpu.memory_space<hbm>>
      %dma_start3A_225 = tpu.memref_squeeze %dma_start3A_224 : memref<1x32xf32, #tpu.memory_space<hbm>> -> memref<32xf32, #tpu.memory_space<hbm>>
      tpu.enqueue_dma source(%dma_start3A_225 : memref<32xf32, #tpu.memory_space<hbm>>) target(%arg8 : memref<32xf32, #tpu.memory_space<vmem>>) target_semaphore(%run_scoped3A : memref<!tpu.dma_semaphore, #tpu.memory_space<semaphore_mem>>)
      %dma_wait3A_226 = arith.constant 99968 : i32
      %dma_wait3A_227 = tpu.memref_slice %arg4[%add3A_206, %dma_wait3A_226] : memref<64x100000xf32, #tpu.memory_space<hbm>> -> memref<1x32xf32, #tpu.memory_space<hbm>>
      %dma_wait3A_228 = tpu.memref_squeeze %dma_wait3A_227 : memref<1x32xf32, #tpu.memory_space<hbm>> -> memref<32xf32, #tpu.memory_space<hbm>>
      %dma_wait3A_229 = arith.constant 99968 : i32
      %dma_wait3A_230 = tpu.memref_slice %arg4[%add3A_206, %dma_wait3A_229] : memref<64x100000xf32, #tpu.memory_space<hbm>> -> memref<1x32xf32, #tpu.memory_space<hbm>>
      %dma_wait3A_231 = tpu.memref_squeeze %dma_wait3A_230 : memref<1x32xf32, #tpu.memory_space<hbm>> -> memref<32xf32, #tpu.memory_space<hbm>>
      tpu.wait_dma2 semaphore(%run_scoped3A : memref<!tpu.dma_semaphore, #tpu.memory_space<semaphore_mem>>) src(%dma_wait3A_231 : memref<32xf32, #tpu.memory_space<hbm>>) dst(%arg8 : memref<32xf32, #tpu.memory_space<vmem>>)
      tpu.yield
    }) : () -> ()
    %parallel_loop3A_207 = arith.constant 0 : i32
    %parallel_loop3A_208 = arith.constant 1024 : i32
    %parallel_loop3A_209 = arith.constant 4 : i32
    %parallel_loop3A_210:4 = scf.for %parallel_loop3A_220 = %parallel_loop3A_207 to %parallel_loop3A_208 step %parallel_loop3A_209 iter_args(%parallel_loop3A_221 = %parallel_loop3A_192#0, %parallel_loop3A_222 = %parallel_loop3A_192#1, %parallel_loop3A_223 = %parallel_loop3A_192#2, %parallel_loop3A_224 = %parallel_loop3A_192#3) -> (vector<16xf32>, vector<16xf32>, vector<16xf32>, vector<16xf32>)  : i32 {
      %parallel_loop3A_225 = arith.constant 0 : i32
      %parallel_loop3A_226 = arith.addi %parallel_loop3A_220, %parallel_loop3A_225 : i32
      %parallel_loop3A_227 = arith.constant 16 : i32
      %parallel_loop3A_228 = arith.muli %parallel_loop3A_226, %parallel_loop3A_227 : i32
      %parallel_loop3A_229 = arith.index_cast %parallel_loop3A_228 : i32 to index
      %parallel_loop3A_230 = tpu.vector_load %arg11[%parallel_loop3A_229] {strides = array<i32>} : memref<16384xi32, #tpu.memory_space<vmem>>, vector<16xi32>,
      %parallel_loop3A_231 = arith.index_cast %parallel_loop3A_228 : i32 to index
      %parallel_loop3A_232 = tpu.vector_load %arg10[%parallel_loop3A_231] {strides = array<i32>} : memref<16384xf32, #tpu.memory_space<vmem>>, vector<16xf32>,
      %parallel_loop3A_233 = arith.constant 66816 : i32
      %parallel_loop3A_234 = vector.broadcast %parallel_loop3A_233 : i32 to vector<16xi32>
      %parallel_loop3A_235 = arith.subi %parallel_loop3A_230, %parallel_loop3A_234 : vector<16xi32>
      %parallel_loop3A_236 = vector.bitcast %parallel_loop3A_235 : vector<16xi32> to vector<16xi32>
      %parallel_loop3A_237 = arith.constant 33152 : i32
      %parallel_loop3A_238 = vector.broadcast %parallel_loop3A_237 : i32 to vector<16xi32>
      %parallel_loop3A_239 = arith.cmpi ult, %parallel_loop3A_236, %parallel_loop3A_238 : vector<16xi32>
      %parallel_loop3A_240 = tpu.vector_load_idx %arg7[%parallel_loop3A_235] masked %parallel_loop3A_239 : memref<33408xf32, #tpu.memory_space<vmem>>[vector<16xi32>], vector<16xf32>, vector<16xi1>
      %parallel_loop3A_241 = arith.subf %parallel_loop3A_232, %parallel_loop3A_240 : vector<16xf32>
      %parallel_loop3A_242 = arith.constant 0.000000e+00 : f32
      %parallel_loop3A_243 = vector.broadcast %parallel_loop3A_242 : f32 to vector<16xf32>
      %parallel_loop3A_244 = arith.select %parallel_loop3A_239, %parallel_loop3A_241, %parallel_loop3A_243 : vector<16xi1>, vector<16xf32>
      %parallel_loop3A_245 = arith.mulf %parallel_loop3A_244, %parallel_loop3A_244 : vector<16xf32>
      %parallel_loop3A_246 = arith.addf %parallel_loop3A_221, %parallel_loop3A_245 : vector<16xf32>
      %parallel_loop3A_247 = arith.constant 99968 : i32
      %parallel_loop3A_248 = vector.broadcast %parallel_loop3A_247 : i32 to vector<16xi32>
      %parallel_loop3A_249 = arith.subi %parallel_loop3A_230, %parallel_loop3A_248 : vector<16xi32>
      %parallel_loop3A_250 = vector.bitcast %parallel_loop3A_249 : vector<16xi32> to vector<16xi32>
      %parallel_loop3A_251 = arith.constant 32 : i32
      %parallel_loop3A_252 = vector.broadcast %parallel_loop3A_251 : i32 to vector<16xi32>
      %parallel_loop3A_253 = arith.cmpi ult, %parallel_loop3A_250, %parallel_loop3A_252 : vector<16xi32>
      %parallel_loop3A_254 = tpu.vector_load_idx %arg8[%parallel_loop3A_249] masked %parallel_loop3A_253 : memref<32xf32, #tpu.memory_space<vmem>>[vector<16xi32>], vector<16xf32>, vector<16xi1>
      %parallel_loop3A_255 = arith.subf %parallel_loop3A_232, %parallel_loop3A_254 : vector<16xf32>
      %parallel_loop3A_256 = arith.constant 0.000000e+00 : f32
      %parallel_loop3A_257 = vector.broadcast %parallel_loop3A_256 : f32 to vector<16xf32>
      %parallel_loop3A_258 = arith.select %parallel_loop3A_253, %parallel_loop3A_255, %parallel_loop3A_257 : vector<16xi1>, vector<16xf32>
      %parallel_loop3A_259 = arith.mulf %parallel_loop3A_258, %parallel_loop3A_258 : vector<16xf32>
      %parallel_loop3A_260 = arith.addf %parallel_loop3A_246, %parallel_loop3A_259 : vector<16xf32>
      %parallel_loop3A_261 = arith.constant 1 : i32
      %parallel_loop3A_262 = arith.addi %parallel_loop3A_220, %parallel_loop3A_261 : i32
      %parallel_loop3A_263 = arith.constant 16 : i32
      %parallel_loop3A_264 = arith.muli %parallel_loop3A_262, %parallel_loop3A_263 : i32
      %parallel_loop3A_265 = arith.index_cast %parallel_loop3A_264 : i32 to index
      %parallel_loop3A_266 = tpu.vector_load %arg11[%parallel_loop3A_265] {strides = array<i32>} : memref<16384xi32, #tpu.memory_space<vmem>>, vector<16xi32>,
      %parallel_loop3A_267 = arith.index_cast %parallel_loop3A_264 : i32 to index
      %parallel_loop3A_268 = tpu.vector_load %arg10[%parallel_loop3A_267] {strides = array<i32>} : memref<16384xf32, #tpu.memory_space<vmem>>, vector<16xf32>,
      %parallel_loop3A_269 = arith.constant 66816 : i32
      %parallel_loop3A_270 = vector.broadcast %parallel_loop3A_269 : i32 to vector<16xi32>
      %parallel_loop3A_271 = arith.subi %parallel_loop3A_266, %parallel_loop3A_270 : vector<16xi32>
      %parallel_loop3A_272 = vector.bitcast %parallel_loop3A_271 : vector<16xi32> to vector<16xi32>
      %parallel_loop3A_273 = arith.constant 33152 : i32
      %parallel_loop3A_274 = vector.broadcast %parallel_loop3A_273 : i32 to vector<16xi32>
      %parallel_loop3A_275 = arith.cmpi ult, %parallel_loop3A_272, %parallel_loop3A_274 : vector<16xi32>
      %parallel_loop3A_276 = tpu.vector_load_idx %arg7[%parallel_loop3A_271] masked %parallel_loop3A_275 : memref<33408xf32, #tpu.memory_space<vmem>>[vector<16xi32>], vector<16xf32>, vector<16xi1>
      %parallel_loop3A_277 = arith.subf %parallel_loop3A_268, %parallel_loop3A_276 : vector<16xf32>
      %parallel_loop3A_278 = arith.constant 0.000000e+00 : f32
      %parallel_loop3A_279 = vector.broadcast %parallel_loop3A_278 : f32 to vector<16xf32>
      %parallel_loop3A_280 = arith.select %parallel_loop3A_275, %parallel_loop3A_277, %parallel_loop3A_279 : vector<16xi1>, vector<16xf32>
      %parallel_loop3A_281 = arith.mulf %parallel_loop3A_280, %parallel_loop3A_280 : vector<16xf32>
      %parallel_loop3A_282 = arith.addf %parallel_loop3A_222, %parallel_loop3A_281 : vector<16xf32>
      %parallel_loop3A_283 = arith.constant 99968 : i32
      %parallel_loop3A_284 = vector.broadcast %parallel_loop3A_283 : i32 to vector<16xi32>
      %parallel_loop3A_285 = arith.subi %parallel_loop3A_266, %parallel_loop3A_284 : vector<16xi32>
      %parallel_loop3A_286 = vector.bitcast %parallel_loop3A_285 : vector<16xi32> to vector<16xi32>
      %parallel_loop3A_287 = arith.constant 32 : i32
      %parallel_loop3A_288 = vector.broadcast %parallel_loop3A_287 : i32 to vector<16xi32>
      %parallel_loop3A_289 = arith.cmpi ult, %parallel_loop3A_286, %parallel_loop3A_288 : vector<16xi32>
      %parallel_loop3A_290 = tpu.vector_load_idx %arg8[%parallel_loop3A_285] masked %parallel_loop3A_289 : memref<32xf32, #tpu.memory_space<vmem>>[vector<16xi32>], vector<16xf32>, vector<16xi1>
      %parallel_loop3A_291 = arith.subf %parallel_loop3A_268, %parallel_loop3A_290 : vector<16xf32>
      %parallel_loop3A_292 = arith.constant 0.000000e+00 : f32
      %parallel_loop3A_293 = vector.broadcast %parallel_loop3A_292 : f32 to vector<16xf32>
      %parallel_loop3A_294 = arith.select %parallel_loop3A_289, %parallel_loop3A_291, %parallel_loop3A_293 : vector<16xi1>, vector<16xf32>
      %parallel_loop3A_295 = arith.mulf %parallel_loop3A_294, %parallel_loop3A_294 : vector<16xf32>
      %parallel_loop3A_296 = arith.addf %parallel_loop3A_282, %parallel_loop3A_295 : vector<16xf32>
      %parallel_loop3A_297 = arith.constant 2 : i32
      %parallel_loop3A_298 = arith.addi %parallel_loop3A_220, %parallel_loop3A_297 : i32
      %parallel_loop3A_299 = arith.constant 16 : i32
      %parallel_loop3A_300 = arith.muli %parallel_loop3A_298, %parallel_loop3A_299 : i32
      %parallel_loop3A_301 = arith.index_cast %parallel_loop3A_300 : i32 to index
      %parallel_loop3A_302 = tpu.vector_load %arg11[%parallel_loop3A_301] {strides = array<i32>} : memref<16384xi32, #tpu.memory_space<vmem>>, vector<16xi32>,
      %parallel_loop3A_303 = arith.index_cast %parallel_loop3A_300 : i32 to index
      %parallel_loop3A_304 = tpu.vector_load %arg10[%parallel_loop3A_303] {strides = array<i32>} : memref<16384xf32, #tpu.memory_space<vmem>>, vector<16xf32>,
      %parallel_loop3A_305 = arith.constant 66816 : i32
      %parallel_loop3A_306 = vector.broadcast %parallel_loop3A_305 : i32 to vector<16xi32>
      %parallel_loop3A_307 = arith.subi %parallel_loop3A_302, %parallel_loop3A_306 : vector<16xi32>
      %parallel_loop3A_308 = vector.bitcast %parallel_loop3A_307 : vector<16xi32> to vector<16xi32>
      %parallel_loop3A_309 = arith.constant 33152 : i32
      %parallel_loop3A_310 = vector.broadcast %parallel_loop3A_309 : i32 to vector<16xi32>
      %parallel_loop3A_311 = arith.cmpi ult, %parallel_loop3A_308, %parallel_loop3A_310 : vector<16xi32>
      %parallel_loop3A_312 = tpu.vector_load_idx %arg7[%parallel_loop3A_307] masked %parallel_loop3A_311 : memref<33408xf32, #tpu.memory_space<vmem>>[vector<16xi32>], vector<16xf32>, vector<16xi1>
      %parallel_loop3A_313 = arith.subf %parallel_loop3A_304, %parallel_loop3A_312 : vector<16xf32>
      %parallel_loop3A_314 = arith.constant 0.000000e+00 : f32
      %parallel_loop3A_315 = vector.broadcast %parallel_loop3A_314 : f32 to vector<16xf32>
      %parallel_loop3A_316 = arith.select %parallel_loop3A_311, %parallel_loop3A_313, %parallel_loop3A_315 : vector<16xi1>, vector<16xf32>
      %parallel_loop3A_317 = arith.mulf %parallel_loop3A_316, %parallel_loop3A_316 : vector<16xf32>
      %parallel_loop3A_318 = arith.addf %parallel_loop3A_223, %parallel_loop3A_317 : vector<16xf32>
      %parallel_loop3A_319 = arith.constant 99968 : i32
      %parallel_loop3A_320 = vector.broadcast %parallel_loop3A_319 : i32 to vector<16xi32>
      %parallel_loop3A_321 = arith.subi %parallel_loop3A_302, %parallel_loop3A_320 : vector<16xi32>
      %parallel_loop3A_322 = vector.bitcast %parallel_loop3A_321 : vector<16xi32> to vector<16xi32>
      %parallel_loop3A_323 = arith.constant 32 : i32
      %parallel_loop3A_324 = vector.broadcast %parallel_loop3A_323 : i32 to vector<16xi32>
      %parallel_loop3A_325 = arith.cmpi ult, %parallel_loop3A_322, %parallel_loop3A_324 : vector<16xi32>
      %parallel_loop3A_326 = tpu.vector_load_idx %arg8[%parallel_loop3A_321] masked %parallel_loop3A_325 : memref<32xf32, #tpu.memory_space<vmem>>[vector<16xi32>], vector<16xf32>, vector<16xi1>
      %parallel_loop3A_327 = arith.subf %parallel_loop3A_304, %parallel_loop3A_326 : vector<16xf32>
      %parallel_loop3A_328 = arith.constant 0.000000e+00 : f32
      %parallel_loop3A_329 = vector.broadcast %parallel_loop3A_328 : f32 to vector<16xf32>
      %parallel_loop3A_330 = arith.select %parallel_loop3A_325, %parallel_loop3A_327, %parallel_loop3A_329 : vector<16xi1>, vector<16xf32>
      %parallel_loop3A_331 = arith.mulf %parallel_loop3A_330, %parallel_loop3A_330 : vector<16xf32>
      %parallel_loop3A_332 = arith.addf %parallel_loop3A_318, %parallel_loop3A_331 : vector<16xf32>
      %parallel_loop3A_333 = arith.constant 3 : i32
      %parallel_loop3A_334 = arith.addi %parallel_loop3A_220, %parallel_loop3A_333 : i32
      %parallel_loop3A_335 = arith.constant 16 : i32
      %parallel_loop3A_336 = arith.muli %parallel_loop3A_334, %parallel_loop3A_335 : i32
      %parallel_loop3A_337 = arith.index_cast %parallel_loop3A_336 : i32 to index
      %parallel_loop3A_338 = tpu.vector_load %arg11[%parallel_loop3A_337] {strides = array<i32>} : memref<16384xi32, #tpu.memory_space<vmem>>, vector<16xi32>,
      %parallel_loop3A_339 = arith.index_cast %parallel_loop3A_336 : i32 to index
      %parallel_loop3A_340 = tpu.vector_load %arg10[%parallel_loop3A_339] {strides = array<i32>} : memref<16384xf32, #tpu.memory_space<vmem>>, vector<16xf32>,
      %parallel_loop3A_341 = arith.constant 66816 : i32
      %parallel_loop3A_342 = vector.broadcast %parallel_loop3A_341 : i32 to vector<16xi32>
      %parallel_loop3A_343 = arith.subi %parallel_loop3A_338, %parallel_loop3A_342 : vector<16xi32>
      %parallel_loop3A_344 = vector.bitcast %parallel_loop3A_343 : vector<16xi32> to vector<16xi32>
      %parallel_loop3A_345 = arith.constant 33152 : i32
      %parallel_loop3A_346 = vector.broadcast %parallel_loop3A_345 : i32 to vector<16xi32>
      %parallel_loop3A_347 = arith.cmpi ult, %parallel_loop3A_344, %parallel_loop3A_346 : vector<16xi32>
      %parallel_loop3A_348 = tpu.vector_load_idx %arg7[%parallel_loop3A_343] masked %parallel_loop3A_347 : memref<33408xf32, #tpu.memory_space<vmem>>[vector<16xi32>], vector<16xf32>, vector<16xi1>
      %parallel_loop3A_349 = arith.subf %parallel_loop3A_340, %parallel_loop3A_348 : vector<16xf32>
      %parallel_loop3A_350 = arith.constant 0.000000e+00 : f32
      %parallel_loop3A_351 = vector.broadcast %parallel_loop3A_350 : f32 to vector<16xf32>
      %parallel_loop3A_352 = arith.select %parallel_loop3A_347, %parallel_loop3A_349, %parallel_loop3A_351 : vector<16xi1>, vector<16xf32>
      %parallel_loop3A_353 = arith.mulf %parallel_loop3A_352, %parallel_loop3A_352 : vector<16xf32>
      %parallel_loop3A_354 = arith.addf %parallel_loop3A_224, %parallel_loop3A_353 : vector<16xf32>
      %parallel_loop3A_355 = arith.constant 99968 : i32
      %parallel_loop3A_356 = vector.broadcast %parallel_loop3A_355 : i32 to vector<16xi32>
      %parallel_loop3A_357 = arith.subi %parallel_loop3A_338, %parallel_loop3A_356 : vector<16xi32>
      %parallel_loop3A_358 = vector.bitcast %parallel_loop3A_357 : vector<16xi32> to vector<16xi32>
      %parallel_loop3A_359 = arith.constant 32 : i32
      %parallel_loop3A_360 = vector.broadcast %parallel_loop3A_359 : i32 to vector<16xi32>
      %parallel_loop3A_361 = arith.cmpi ult, %parallel_loop3A_358, %parallel_loop3A_360 : vector<16xi32>
      %parallel_loop3A_362 = tpu.vector_load_idx %arg8[%parallel_loop3A_357] masked %parallel_loop3A_361 : memref<32xf32, #tpu.memory_space<vmem>>[vector<16xi32>], vector<16xf32>, vector<16xi1>
      %parallel_loop3A_363 = arith.subf %parallel_loop3A_340, %parallel_loop3A_362 : vector<16xf32>
      %parallel_loop3A_364 = arith.constant 0.000000e+00 : f32
      %parallel_loop3A_365 = vector.broadcast %parallel_loop3A_364 : f32 to vector<16xf32>
      %parallel_loop3A_366 = arith.select %parallel_loop3A_361, %parallel_loop3A_363, %parallel_loop3A_365 : vector<16xi1>, vector<16xf32>
      %parallel_loop3A_367 = arith.mulf %parallel_loop3A_366, %parallel_loop3A_366 : vector<16xf32>
      %parallel_loop3A_368 = arith.addf %parallel_loop3A_354, %parallel_loop3A_367 : vector<16xf32>
      scf.yield %parallel_loop3A_260, %parallel_loop3A_296, %parallel_loop3A_332, %parallel_loop3A_368 : vector<16xf32>, vector<16xf32>, vector<16xf32>, vector<16xf32>
    } {sc.loop_unroll_factor = 2 : i64, sc.parallel_access}
    %add3A_211 = arith.addf %parallel_loop3A_210#0, %parallel_loop3A_210#1 : vector<16xf32>
    %add3A_212 = arith.addf %parallel_loop3A_210#2, %parallel_loop3A_210#3 : vector<16xf32>
    %add3A_213 = arith.addf %add3A_211, %add3A_212 : vector<16xf32>
    %mul3A_214 = arith.constant 6.10351591E-8 : f32
    %mul3A_215 = vector.broadcast %mul3A_214 : f32 to vector<16xf32>
    %mul3A_216 = arith.mulf %add3A_213, %mul3A_215 : vector<16xf32>
    %swap3A = arith.constant 0 : index
    %swap3A_217 = tpu.vector_load %arg12[%swap3A] {strides = array<i32>} : memref<16xf32, #tpu.memory_space<vmem>>, vector<16xf32>,
    tpu.vector_store %arg12[%swap3A], %mul3A_216 {strides = array<i32>} : memref<16xf32, #tpu.memory_space<vmem>>, vector<16xf32>,
    %mul3A_218 = arith.constant 16 : i32
    %mul3A_219 = arith.muli %add3A, %mul3A_218 : i32
    "tpu.region"() ({
      %run_scoped3A = tpu.sem_alloc : memref<!tpu.dma_semaphore, #tpu.memory_space<semaphore_mem>>
      %dma_start3A_220 = tpu.memref_slice %arg5[%mul3A_219] : memref<512xf32, #tpu.memory_space<hbm>> -> memref<16xf32, #tpu.memory_space<hbm>>
      %dma_start3A_221 = tpu.memref_slice %arg5[%mul3A_219] : memref<512xf32, #tpu.memory_space<hbm>> -> memref<16xf32, #tpu.memory_space<hbm>>
      tpu.enqueue_dma source(%arg12 : memref<16xf32, #tpu.memory_space<vmem>>) target(%dma_start3A_221 : memref<16xf32, #tpu.memory_space<hbm>>) target_semaphore(%run_scoped3A : memref<!tpu.dma_semaphore, #tpu.memory_space<semaphore_mem>>)
      %dma_wait3A_222 = tpu.memref_slice %arg5[%mul3A_219] : memref<512xf32, #tpu.memory_space<hbm>> -> memref<16xf32, #tpu.memory_space<hbm>>
      %dma_wait3A_223 = tpu.memref_slice %arg5[%mul3A_219] : memref<512xf32, #tpu.memory_space<hbm>> -> memref<16xf32, #tpu.memory_space<hbm>>
      tpu.wait_dma2 semaphore(%run_scoped3A : memref<!tpu.dma_semaphore, #tpu.memory_space<semaphore_mem>>) src(%arg12 : memref<16xf32, #tpu.memory_space<vmem>>) dst(%dma_wait3A_223 : memref<16xf32, #tpu.memory_space<hbm>>)
      tpu.yield
    }) : () -> ()
    return
  }
}

</mosaic_0001>

<sc_bundles>
// kernel: kernel.3.cloned.1.call-start
scs
__scs_entry_jumppad:
0x0: {  	(pc) =	sbr.rel $0x88, $3  }
0x1: {  	(tag) =	ssettag $0x0;
	lr =	simm.s32 $0x1  }
0x2: {  	[smem:$0x3F9E] =	sst lr;
	_ =	strace $0xD0000000  }
0x3: {  	_ = 	snop  }
0x4: {  	_ = 	snop  }
0x5: {  	_ = 	snop  }
0x6: {  	_ = 	snop  }
0x7: {  	_ = 	snop  }
__scs_overlays_trampoline_lowered:
0x8: {  	[smem:$0x3FAD] =	sst s0  }
0x9: {  	[smem:$0x3FAE] =	sst s1  }
0xa: {  	[smem:$0x3FAF] =	sst s2  }
0xb: {  	[smem:$0x3FB0] =	sst s3  }
0xc: {  	[smem:$0x3FB1] =	sst s4  }
0xd: {  	[smem:$0x3FB2] =	sst s5  }
0xe: {  	[smem:$0x3FB3] =	sst s6  }
0xf: {  	[smem:$0x3FB4] =	sst s7  }
0x10: {  	[smem:$0x3FB5] =	sst s8  }
0x11: {  	[smem:$0x3FB6] =	sst s9;
	s0 =	simm.s32 @!p0 $0x0  }
0x12: {  	s1 =	sld [smem:$0x3F9C];
	s0 =	simm.s32 @p0 $0x1  }
0x13: {  	[smem:$0x3FB7] =	sst s0;
	s0 =	simm.s32 @!p1 $0x0  }
0x14: {  	s2 =	sld [smem:$0x3F9B];
	s0 =	simm.s32 @p1 $0x1  }
0x15: {  	[smem:$0x3FB8] =	sst s0;
	s0 =	simm.s32 @!p2 $0x0  }
0x16: {  	s3 =	sld [smem:$0x3FDB];
	s0 =	simm.s32 @p2 $0x1  }
0x17: {  	s4 =	simm.s32 $0x1BF5;
	[smem:$0x3FBA] =	sst s0  }
0x18: {  	s0 =	sld [smem:$0x3F9D];
	_ =	swait.ge [sflag:s4], $0x0  }
0x19: {  	s7 =	sld [smem:$0x3F9E]  }
0x1a: {  	s8 =	sadd.s32 $0xFFFFE003, lr  }
0x1b: {  	s9 =	sadd.s32 $0xFFFFFEF7, lr;
	s5 =	simm.s32 $0xFFFFFFFF;
	p2 =	slt.u32 s8, $0xFFFFF086  }
0x1c: {  	p1 =	slt.u32 s9, $0xF7A;
	s5 =	simm.s32 @!p2 $0x0  }
0x1d: {  	s5 =	simm.s32 @p1 $0x1;
	p0 =	seq.s32 s7, s2  }
0x1e: {  	s7 =	smul.u32 @!p0 $0xF7A, s2;
	p2 =	seq.s32 @!p0 s5, $0x0  }
0x1f: {  	s9 =	smul.u32 $0xF7A, s1;
	s8 =	simm.s32 @!p0 $0x1BF5;
	p2 =	por !p2, p0  }
0x20: {  	[sflag:s8] =	ssyncset.s32 @!p0 $0xFFFFF086;
	s6 =	sadd.s32 @!p0 s3, s7;
	s7 =	simm.s32 @!p0 $0x108  }
0x21: {  	s3 =	sadd.s32 s3, s9;
	s6 =	sadd.s32 @!p0 $0x88, s6;
	s7 =	simm.s32 @p2 $0x1082  }
0x22: {  	[simem:s7], [sflag:s8] =	dma.local @!p0 [hbm:s6], $0xF7A  }
0x23: {  	s9 =	sor.u32 $0xD0000000, s2;
	s6 =	simm.s32 $0x108;
	_ =	swait.ge @!p0 [sflag:s8], $0x0  }
0x24: {  	s3 =	sadd.s32 $0x88, s3;
	s6 =	simm.s32 @!p1 $0x1082;
	[sflag:s4] =	ssyncset.s32 $0xFFFFF086  }
0x25: {  	[simem:s6], [sflag:s4] =	dma.local [hbm:s3], $0xF7A  }
0x26: {  	[smem:$0x3F9E] =	sst s1;
	(tag) =	ssettag s2;
	_ =	strace s9  }
0x27: {  	s1 =	sld [smem:$0x3FAE]  }
0x28: {  	s2 =	sld [smem:$0x3FAF]  }
0x29: {  	s4 =	sld [smem:$0x3FB1]  }
0x2a: {  	p0 =	seq.s32 s5, $0x0;
	s5 =	sld [smem:$0x3FB2]  }
0x2b: {  	s6 =	sld [smem:$0x3FB3]  }
0x2c: {  	s7 =	sld [smem:$0x3FB4]  }
0x2d: {  	s3 =	simm.s32 $0x108;
	s8 =	sld [smem:$0x3FB5]  }
0x2e: {  	s3 =	simm.s32 @!p0 $0x1082;
	s9 =	sld [smem:$0x3FB6]  }
0x2f: {  	lr =	sadd.s32 s0, s3;
	s0 =	sld [smem:$0x3FAD]  }
0x30: {  	s3 =	sld [smem:$0x3FB0]  }
0x31: {  	[smem:$0x3FB9] =	sst s10  }
0x32: {  	s10 =	sld [smem:$0x3FB7];
	_ =	sdelay $0x3  }
0x33: {  	p0 =	seq.s32 s10, $0x1;
	s10 =	sld [smem:$0x3FB9];
	_ =	sdelay $0x3  }
0x34: {  	[smem:$0x3FB9] =	sst s10  }
0x35: {  	s10 =	sld [smem:$0x3FB8];
	_ =	sdelay $0x3  }
0x36: {  	p1 =	seq.s32 s10, $0x1;
	s10 =	sld [smem:$0x3FB9];
	_ =	sdelay $0x3  }
0x37: {  	[smem:$0x3FB9] =	sst s10  }
0x38: {  	s10 =	sld [smem:$0x3FBA]  }
0x39: {  	_ = 	snop;
	(pc) =	sbr.ind lr, $3  }
0x3a: {  	_ = 	snop  }
0x3b: {  	_ = 	snop  }
0x3c: {  	p2 =	seq.s32 s10, $0x1;
	s10 =	sld [smem:$0x3FB9]  }
0x3d: {  	_ =	shalt  }
0x3e: {  	_ =	shalt  }
0x3f: {  	_ =	shalt  }
0x40: {  	_ =	shalt  }
0x41: {  	_ =	shalt  }
0x42: {  	_ =	shalt  }
0x43: {  	_ =	shalt  }
0x44: {  	_ =	shalt  }
0x45: {  	_ =	shalt  }
0x46: {  	_ =	shalt  }
0x47: {  	_ =	shalt  }
0x48: {  	_ =	shalt  }
0x49: {  	_ =	shalt  }
0x4a: {  	_ =	shalt  }
0x4b: {  	_ =	shalt  }
0x4c: {  	_ =	shalt  }
0x4d: {  	_ =	shalt  }
0x4e: {  	_ =	shalt  }
0x4f: {  	_ =	shalt  }
0x50: {  	_ =	shalt  }
0x51: {  	_ =	shalt  }
0x52: {  	_ =	shalt  }
0x53: {  	_ =	shalt  }
0x54: {  	_ =	shalt  }
0x55: {  	_ =	shalt  }
0x56: {  	_ =	shalt  }
0x57: {  	_ =	shalt  }
0x58: {  	_ =	shalt  }
0x59: {  	_ =	shalt  }
0x5a: {  	_ =	shalt  }
0x5b: {  	_ =	shalt  }
0x5c: {  	_ =	shalt  }
0x5d: {  	_ =	shalt  }
0x5e: {  	_ =	shalt  }
0x5f: {  	_ =	shalt  }
0x60: {  	_ =	shalt  }
0x61: {  	_ =	shalt  }
0x62: {  	_ =	shalt  }
0x63: {  	_ =	shalt  }
0x64: {  	_ =	shalt  }
0x65: {  	_ =	shalt  }
0x66: {  	_ =	shalt  }
0x67: {  	_ =	shalt  }
0x68: {  	_ =	shalt  }
0x69: {  	_ =	shalt  }
0x6a: {  	_ =	shalt  }
0x6b: {  	_ =	shalt  }
0x6c: {  	_ =	shalt  }
0x6d: {  	_ =	shalt  }
0x6e: {  	_ =	shalt  }
0x6f: {  	_ =	shalt  }
0x70: {  	_ =	shalt  }
0x71: {  	_ =	shalt  }
0x72: {  	_ =	shalt  }
0x73: {  	_ =	shalt  }
0x74: {  	_ =	shalt  }
0x75: {  	_ =	shalt  }
0x76: {  	_ =	shalt  }
0x77: {  	_ =	shalt  }
0x78: {  	_ =	shalt  }
0x79: {  	_ =	shalt  }
0x7a: {  	_ =	shalt  }
0x7b: {  	_ =	shalt  }
0x7c: {  	_ =	shalt  }
0x7d: {  	_ =	shalt  }
0x7e: {  	_ =	shalt  }
0x7f: {  	_ =	shalt  }
0x80: {  	_ =	shalt  }
0x81: {  	_ =	shalt  }
0x82: {  	_ =	shalt  }
0x83: {  	_ =	shalt  }
0x84: {  	_ =	shalt  }
0x85: {  	_ =	shalt  }
0x86: {  	_ =	shalt  }
0x87: {  	_ =	shalt  }
.Lfunc_end0:
.L_simem_size_0:
called_computation_lowered:
.L_overlay_start_0:
0x88: {  	s2 =	sld [smem:$0x3FD9]  }
0x89: {  	s3 =	sld [smem:$0x3FFE];
	_ =	sdelay $0x1  }
0x8a: {  	s1 =	srdreg.scid  }
0x8b: {  	s0 =	sand.u32 $0x1, s1  }
0x8c: {  	s17 =	sshll.u32 s0, $0xA;
	s2 =	sadd.s32 s3, s2  }
0x8d: {  	s2 =	sadd.s32 s2, s17  }
0x8e: {  	[smem:$0x3FC5] =	sst s2  }
0x8f: {  	_ = 	snop  }
0x90: {  	s2 =	sld [smem:$0x3FC9]  }
0x91: {  	s18 =	sld [smem:$0x3FC8]  }
0x92: {  	s4 =	sld [smem:$0x3FC7];
	(tm) =	ssettm $0x1  }
0x93: {  	s5 =	sld [smem:$0x3FFB];
	_ =	sdelay $0x3  }
0x94: {  	_ =	strace s5  }
0x95: {  	s5 =	sld [smem:$0x3FFC];
	_ =	sdelay $0x3  }
0x96: {  	_ =	strace s5  }
0x97: {  	s5 =	sld [smem:$0x3FFD];
	_ =	sdelay $0x3  }
0x98: {  	_ =	strace s5  }
0x99: {  	_ =	strace $0x8FFFFFFF  }
0x9a: {  	s19 =	sld [smem:$0x3FDB];
	_ =	sdelay $0x1  }
0x9b: {  	s6 =	simm.s32 $_scs_section_size  }
0x9c: {  	s7 =	simm.s32 $_size__tile_overlayer_lowered;
	s8 =	simm.s32 $_tile_overlayer_lowered  }
0x9d: {  	s22 =	simm.s32 $0x1BFF;
	s21 =	sshll.u32 s8, $0x1;
	s5 =	sadd.s32 s6, s19  }
0x9e: {  	s9 =	simm.s32 $0x0;
	s20 =	sshll.u32 s7, $0x1;
	s7 =	sadd.s32 s21, s5  }
0x9f: {  	[timem:s9], [sflag:s22] =	dma.local [hbm:s7], s20  }
0xa0: {  	_ =	swait.ge [sflag:s22], s20  }
0xa1: {  	s6 =	ssub.s32 $0x0, s20;
	[sflag:s22] =	ssyncset.done $0x0  }
0xa2: {  	[sflag:s22] =	ssyncadd.s32 s6;
	_ =	sdelay $0x1  }
0xa3: {  	s23 =	simm.s32 $0x1B8B  }
0xa4: {  	_ =	swait.ge [sflag:s23], $0x1  }
0xa5: {  	[sflag:s23] =	ssyncset.done $0x0  }
0xa6: {  	s25 =	simm.s32 $0x1B8E;
	s24 =	sld [smem:$0x3FFE];
	[sflag:s23] =	ssyncadd.s32 $0xFFFFFFFF  }
0xa7: {  	s26 =	simm.s32 $execute0_lowered;
	[smem:$0x3FD2] =	sst s25  }
0xa8: {  	s7 =	sshll.u32 s26, $0x1;
	_ =	strace $0x80000046;
	[dreg:$0x1] =	wrdreg $0xFFFFFFFF  }
0xa9: {  	s28 =	simm.s32 $_size_execute0_lowered;
	s5 =	sadd.s32 s5, s7;
	[dreg:$0x0] =	wrdreg $0x0  }
0xaa: {  	s7 =	sshll.u32 s28, $0x1;
	[dreg:$0x2] =	wrdreg s5  }
0xab: {  	[dreg:$0x3] =	wrdreg s7  }
0xac: {  	[dreg:$0x4] =	wrdreg $0xC0  }
0xad: {  	_ =	task [dreg:s9], $0x5FFFF  }
0xae: {  	[dreg:$0x1] =	wrdreg $0xFFFFFFFF  }
0xaf: {  	[dreg:$0x0] =	wrdreg $0x60  }
0xb0: {  	[dreg:$0x2] =	wrdreg s2  }
0xb1: {  	[dreg:$0x3] =	wrdreg s18  }
0xb2: {  	[dreg:$0x4] =	wrdreg s4  }
0xb3: {  	[dreg:$0x5] =	wrdreg s24  }
0xb4: {  	[dreg:$0x6] =	wrdreg $0x9  }
0xb5: {  	_ =	task.clear_ibuf [dreg:s9], $0x7FFFF;
	_ =	strace $0x90000046  }
0xb6: {  	s29 =	simm.s32 $0x9;
	_ =	strace $0x80000048  }
0xb7: {  	_ =	swait.ge [sflag:s29], $0x1  }
0xb8: {  	[sflag:s29] =	ssyncadd.s32 $0xFFFFFFFF  }
0xb9: {  	_ =	strace $0x90000048  }
0xba: {  	_ =	sfence  }
0xbb: {  	s30 =	sld [smem:$0x0];
	_ =	sdelay $0x2  }
0xbc: {  	s31 =	sshll.u32 s1, $0xD;
	s1 =	sshrl.u32 s1, $0x2  }
0xbd: {  	s3 =	sand.u32 $0x4000, s31;
	s1 =	sadd.s32 s1, s30  }
0xbe: {  	s0 =	sor.u32 s3, s0;
	s1 =	sshll.u32 s1, $0x11  }
0xbf: {  	s0 =	sor.u32 s1, s0  }
0xc0: {  	s0 =	sadd.s32 $0x8F2B, s0  }
0xc1: {  	[sflag:s0] =	ssyncadd.remote.s32 $0x1  }
0xc2: {  	_ =	sfence.sel $0xFFFF  }
0xc3: {  	[dreg:$0x0] =	wrdreg $0xFFFFFFFF;
	(pc) =	sbr.abs _section_cstart, $3  }
0xc4: {  	[dreg:$0x1] =	wrdreg $0xFFFFFFFF  }
0xc5: {  	_ =	task.clear_ibuf [dreg:s9], $0x2FFFF;
	_ =	strace $0x9FFFFFFF  }
0xc6: {  	(tm) =	ssettm $0x7FFFFFFF  }
0xc7: {  	_ =	shalt  }
tec
execute0_lowered:
.L_overlay_start_1:
0x0: {  	(tag) =	ssettag $0x1  }
0x1: {  	s2 =	rddreg [dreg:$0x0]  }
0x2: {  	s1 =	rddreg [dreg:$0x1]  }
0x3: {  	s13 =	rddreg [dreg:$0x2];
	s3 =	srdreg.scid  }
0x4: {  	s0 =	stileid.u32;
	s14 =	rddreg [dreg:$0x3];
	s28 =	simm.s32 $0x1C580  }
0x5: {  	s29 =	simm.s32 $0x0;
	s4 =	sand.u32 $0x1, s3;
	s5 =	sshll.u32 s0, $0x1  }
0x6: {  	s3 =	simm.s32 $0x0;
	s6 =	sshrl.u32 s0, $0x1;
	s15 =	sor.u32 s4, s5  }
0x7: {  	[smem:$0x7FF] =	sst s3;
	s4 =	ssub.s32 $0x2, s4;
	s9 =	sshll.u32 s6, $0x11  }
0x8: {  	s10 =	smul.u32 $0xC3800, s6;
	s5 =	sshll.u32 s15, $0x8;
	s19 =	sshrl.u32 s4, $0x1  }
0x9: {  	_ =	strace $0x80000047;
	s31 =	sshll.u32 s15, $0x1;
	s8 =	sand.u32 $0x300, s5  }
0xa: {  	s16 =	ssub.s32 s4, s19;
	s11 =	sadd.s32 $0x41400, s10;
	s12 =	sadd.s32 $0x82800, s10  }
0xb: {  	s18 =	sadd.s32 $0xC3400, s10;
	s14 =	sadd.s32 s14, s31;
	s7 =	sor.u32 s9, s8  }
0xc: {  	s21 =	sor.u32 s10, s8;
	s22 =	sor.u32 s11, s8;
	s23 =	sor.u32 s12, s8  }
0xd: {  	s17 =	sor.u32 $0x80, s8;
	s19 =	sor.u32 s18, s8;
	s15 =	smax.u32 s16, $0x1  }
0xe: {  	s16 =	simm.s32 $0x18580;
	s20 =	sshrl.u32 s7, $0x3;
	s5 =	sshrl.u32 s21, $0x3  }
0xf: {  	s6 =	sshrl.u32 s22, $0x3;
	s7 =	sshrl.u32 s23, $0x3;
	s9 =	sor.u32 s9, s17  }
0x10: {  	s10 =	sor.u32 s10, s17;
	s25 =	sshrl.u32 s19, $0x3;
	s26 =	sor.u32 s11, s17  }
0x11: {  	s12 =	sor.u32 s12, s17;
	s17 =	sor.u32 s18, s17;
	s18 =	simm.s32 $0x400  }
0x12: {  	s19 =	simm.s32 $0x10580;
	s21 =	simm.s32 $0x1;
	s22 =	simm.s32 $0x8280  }
0x13: {  	s23 =	simm.s32 $0x2;
	s4 =	sadd.s32 s2, s20;
	s5 =	sadd.s32 s13, s5  }
0x14: {  	s6 =	sadd.s32 s13, s6;
	s7 =	sadd.s32 s13, s7;
	s9 =	sshrl.u32 s9, $0x3  }
0x15: {  	s24 =	sshrl.u32 s10, $0x3;
	s10 =	sadd.s32 s13, s25;
	s30 =	sshrl.u32 s12, $0x3  }
0x16: {  	s17 =	sshrl.u32 s17, $0x3;
	s20 =	simm.s32 $0x3;
	s25 =	simm.s32 $0x10500  }
0x17: {  	s8 =	sadd.s32 s2, s9;
	s9 =	sadd.s32 s13, s24;
	s2 =	sshrl.u32 s26, $0x3  }
0x18: {  	s12 =	sadd.s32 s13, s30;
	s24 =	simm.s32 $0x14580;
	s26 =	simm.s32 $0x4  }
0x19: {  	s11 =	sadd.s32 s13, s2;
	s13 =	sadd.s32 s13, s17;
	s17 =	simm.s32 $0x80  }
.LBB2_1:
0x1a: {  	[tilespmem:s16], [sflag:$0x3] =	stream.linear.gather [hbm4b:s1+s3], $0x4000, $0x38;
	[tilespmem:$0x1C600] =	vst v63  }
0x1b: {  	_ = 	snop  }
0x1c: {  	[tilespmem:s19], [sflag:$0x3] =	stream.strided.gather [hbm4b:s4+s17], $0x4000, s18, s17, $0x38;
	[tilespmem:$0x1C600] =	vst v63  }
0x1d: {  	_ = 	snop  }
0x1e: {  	[tilespmem:s3], [sflag:$0x1] =	stream.strided.gather [hbm4b:s5+s17], $0x8280, s18, s17, $0x38;
	[tilespmem:$0x1C600] =	vst v63  }
0x1f: {  	_ =	swait.ge [sflag:s20], $0x4000  }
0x20: {  	[sflag:s20] =	ssyncset.done $0x0  }
0x21: {  	[sflag:s20] =	ssyncadd.s32 $0xFFFFC000  }
0x22: {  	_ =	swait.ge [sflag:s20], $0x4000  }
0x23: {  	[sflag:s20] =	ssyncset.done $0x0  }
0x24: {  	[sflag:s20] =	ssyncadd.s32 $0xFFFFC000  }
0x25: {  	_ =	swait.ge [sflag:s21], $0x8280  }
0x26: {  	[sflag:s21] =	ssyncset.done $0x0  }
0x27: {  	s2 =	simm.s32 $0x105C0;
	[sflag:s21] =	ssyncadd.s32 $0xFFFF7D80  }
0x28: {  	[tilespmem:s22], [sflag:$0x2] =	stream.strided.gather [hbm4b:s6+s17], $0x8280, s18, s17, $0x38;
	[tilespmem:$0x1C600] =	vst v63  }
0x29: {  	v1 =	vld [tilespmem:s2+$0x10]  }
0x2a: {  	v2 =	vld [tilespmem:s2+$0xFFFFFFD0]  }
0x2b: {  	v3 =	vld [tilespmem:s2+$0xFFFFFFE0]  }
0x2c: {  	s30 =	simm.s32 $0x185C0;
	v4 =	vld [tilespmem:s2+$0xFFFFFFF0]  }
0x2d: {  	v0 =	vld [tilespmem:s30+$0x30]  }
0x2e: {  	v5 =	vld [tilespmem:s30+$0x20]  }
0x2f: {  	v6 =	vld [tilespmem:s30+$0xFFFFFFC0]  }
0x30: {  	v7 =	vld [tilespmem:s30+$0xFFFFFFF0]  }
0x31: {  	v8 =	vld [tilespmem:s30+$0xFFFFFFE0]  }
0x32: {  	v10 =	vld [tilespmem:s30+$0x10];
	vm3 =	vlt.u32 v0, $0x8280  }
0x33: {  	v9 =	vld [tilespmem:s30+$0xFFFFFFD0];
	vm4 =	vlt.u32 v5, $0x8280  }
0x34: {  	v11 =	vld [tilespmem:s30+$0x0];
	vm5 =	vlt.u32 v6, $0x8280  }
0x35: {  	v12 =	vld [tilespmem:s2+$0x30];
	vm6 =	vlt.u32 v7, $0x8280  }
0x36: {  	v13 =	vld [tilespmem:s2+$0xFFFFFFC0];
	vm7 =	vlt.u32 v8, $0x8280  }
0x37: {  	v14 =	vld [tilespmem:s2+$0x20];
	vm1 =	vlt.u32 v10, $0x8280  }
0x38: {  	vm2 =	vlt.u32 v9, $0x8280;
	v0 =	vld.idx.msk [tilespmem:v0+s3+$0x0], vm3  }
0x39: {  	v5 =	vld.idx.msk [tilespmem:v5+s3+$0x0], vm4  }
0x3a: {  	vm0 =	vlt.u32 v11, $0x8280;
	v6 =	vld.idx.msk [tilespmem:v6+s3+$0x0], vm5  }
0x3b: {  	v7 =	vld.idx.msk [tilespmem:v7+s3+$0x0], vm6  }
0x3c: {  	v8 =	vld.idx.msk [tilespmem:v8+s3+$0x0], vm7  }
0x3d: {  	v10 =	vld.idx.msk [tilespmem:v10+s3+$0x0], vm1  }
0x3e: {  	v9 =	vld.idx.msk [tilespmem:v9+s3+$0x0], vm2;
	_ =	sdelay $0x1  }
0x3f: {  	v15 =	vld.idx.msk [tilespmem:v11+s3+$0x0], vm0;
	v0 =	vsub.f32 v12, v0  }
0x40: {  	s30 =	simm.s32 $0x18640;
	v5 =	vsub.f32 v14, v5;
	v14 =	vld [tilespmem:s2+$0x0];
	v6 =	vsub.f32 v13, v6  }
0x41: {  	v16 =	vimm.f32 $0.0e+00;
	v7 =	vsub.f32 v4, v7;
	v1 =	vsub.f32 v1, v10;
	v10 =	vld [tilespmem:s30+$0x30]  }
0x42: {  	v8 =	vsub.f32 v3, v8;
	v2 =	vsub.f32 v2, v9;
	v12 =	vld [tilespmem:s30+$0xFFFFFFC0];
	v11 =	vnsel vm3, $0x0, v0  }
0x43: {  	s2 =	simm.s32 $0x10640;
	v13 =	vld [tilespmem:s30+$0xFFFFFFF0];
	v5 =	vnsel vm4, $0x0, v5;
	v6 =	vnsel vm5, $0x0, v6;
	v7 =	vnsel vm6, $0x0, v7  }
0x44: {  	v4 =	vld [tilespmem:s2+$0xFFFFFFD0];
	v8 =	vnsel vm7, $0x0, v8;
	v2 =	vnsel vm2, $0x0, v2;
	v7 =	vmul.f32 v7, v7  }
0x45: {  	v3 =	vld [tilespmem:s2+$0xFFFFFFE0];
	v1 =	vnsel vm1, $0x0, v1;
	v17 =	vmul.f32 v11, v11;
	v8 =	vmul.f32 v8, v8  }
0x46: {  	v6 =	vmul.f32 v6, v6;
	v11 =	vld [tilespmem:s30+$0x20];
	v2 =	vmul.f32 v2, v2;
	v9 =	vadd.f32 v7, v16  }
0x47: {  	v0 =	vld [tilespmem:s2+$0x10];
	v18 =	vmul.f32 v5, v5;
	v19 =	vadd.f32 v8, v16;
	v15 =	vsub.f32 v14, v15  }
0x48: {  	v5 =	vld [tilespmem:s2+$0xFFFFFFF0];
	v6 =	vadd.f32 v6, v16;
	v7 =	vmul.f32 v1, v1;
	v8 =	vadd.f32 v2, v16  }
0x49: {  	s31 =	simm.s32 $0x8;
	v14 =	vld [tilespmem:s30+$0xFFFFFFE0];
	v2 =	vadd.f32 v17, v9;
	v9 =	vnsel vm0, $0x0, v15;
	v1 =	vadd.f32 v18, v19  }
.LBB2_2:
0x4a: {  	s31 =	sadd.s32 $0x8, s31;
	v15 =	vld [tilespmem:s30+$0xFFFFFFD0];
	vm6 =	vlt.u32 v10, $0x8280;
	v9 =	vmul.f32 v9, v9;
	v8 =	vadd.f32 v7, v8  }
0x4b: {  	p0 =	slt.u32 s31, $0x3F8;
	v7 =	vld [tilespmem:s30+$0x10];
	vm7 =	vlt.u32 v11, $0x8280  }
0x4c: {  	vm5 =	vlt.u32 v12, $0x8280;
	v16 =	vld [tilespmem:s30+$0x0];
	v6 =	vadd.f32 v9, v6  }
0x4d: {  	vm3 =	vlt.u32 v13, $0x8280;
	v9 =	vld [tilespmem:s2+$0x30]  }
0x4e: {  	v17 =	vld [tilespmem:s2+$0xFFFFFFC0];
	vm4 =	vlt.u32 v14, $0x8280  }
0x4f: {  	vm2 =	vlt.u32 v15, $0x8280;
	v18 =	vld [tilespmem:s2+$0x20]  }
0x50: {  	vm1 =	vlt.u32 v7, $0x8280;
	v10 =	vld.idx.msk [tilespmem:v10+s3+$0x0], vm6  }
0x51: {  	vm0 =	vlt.u32 v16, $0x8280;
	v11 =	vld.idx.msk [tilespmem:v11+s3+$0x0], vm7  }
0x52: {  	v12 =	vld.idx.msk [tilespmem:v12+s3+$0x0], vm5  }
0x53: {  	v13 =	vld.idx.msk [tilespmem:v13+s3+$0x0], vm3  }
0x54: {  	v14 =	vld.idx.msk [tilespmem:v14+s3+$0x0], vm4  }
0x55: {  	v15 =	vld.idx.msk [tilespmem:v15+s3+$0x0], vm2  }
0x56: {  	v9 =	vsub.f32 v9, v10;
	v7 =	vld.idx.msk [tilespmem:v7+s3+$0x0], vm1  }
0x57: {  	v10 =	vsub.f32 v18, v11;
	v16 =	vld.idx.msk [tilespmem:v16+s3+$0x0], vm0  }
0x58: {  	v11 =	vsub.f32 v17, v12;
	v9 =	vnsel vm6, $0x0, v9;
	v17 =	vld [tilespmem:s2+$0x0];
	s2 =	sadd.s32 $0x80, s2  }
0x59: {  	v5 =	vsub.f32 v5, v13;
	v10 =	vnsel vm7, $0x0, v10;
	v9 =	vmul.f32 v9, v9;
	v12 =	vld [tilespmem:s2+$0x10]  }
0x5a: {  	v11 =	vnsel vm5, $0x0, v11;
	v14 =	vsub.f32 v3, v14;
	v18 =	vmul.f32 v10, v10;
	v13 =	vld [tilespmem:s2+$0xFFFFFFD0]  }
0x5b: {  	v11 =	vmul.f32 v11, v11;
	v4 =	vsub.f32 v4, v15;
	v10 =	vnsel vm3, $0x0, v5;
	v3 =	vld [tilespmem:s2+$0xFFFFFFE0]  }
0x5c: {  	s30 =	sadd.s32 $0x80, s30;
	v14 =	vnsel vm4, $0x0, v14;
	v15 =	vmul.f32 v10, v10;
	v19 =	vsub.f32 v0, v7;
	v5 =	vld [tilespmem:s2+$0xFFFFFFF0]  }
.Ltmp0:
0x5d: {  	v6 =	vadd.f32 v11, v6;
	v20 =	vnsel vm2, $0x0, v4;
	v7 =	vmul.f32 v14, v14;
	v10 =	vld [tilespmem:s30+$0x30];
	(pc) =	sbr.rel @p0 .LBB2_2-.Ltmp0, $4  }
0x5e: {  	v14 =	vmul.f32 v20, v20;
	v2 =	vadd.f32 v15, v2;
	v19 =	vnsel vm1, $0x0, v19;
	v11 =	vld [tilespmem:s30+$0x20];
	v0 =	vmovc v12  }
0x5f: {  	v15 =	vsub.f32 v17, v16;
	v1 =	vadd.f32 v7, v1;
	v7 =	vmul.f32 v19, v19;
	v12 =	vld [tilespmem:s30+$0xFFFFFFC0];
	v4 =	vmovc v13  }
0x60: {  	v8 =	vadd.f32 v14, v8;
	v2 =	vadd.f32 v9, v2;
	v13 =	vld [tilespmem:s30+$0xFFFFFFF0]  }
0x61: {  	v9 =	vnsel vm0, $0x0, v15;
	v1 =	vadd.f32 v18, v1;
	v14 =	vld [tilespmem:s30+$0xFFFFFFE0]  }
0x62: {  	v15 =	vld [tilespmem:s30+$0xFFFFFFD0]  }
0x63: {  	vm7 =	vlt.u32 v10, $0x8280;
	v16 =	vld [tilespmem:s30+$0x10]  }
0x64: {  	v17 =	vld [tilespmem:s30+$0x0];
	vm2 =	vlt.u32 v11, $0x8280  }
0x65: {  	v18 =	vld [tilespmem:s2+$0x30];
	vm4 =	vlt.u32 v12, $0x8280  }
0x66: {  	v19 =	vld [tilespmem:s2+$0xFFFFFFC0];
	vm6 =	vlt.u32 v13, $0x8280  }
0x67: {  	v20 =	vld [tilespmem:s2+$0x20];
	vm5 =	vlt.u32 v14, $0x8280  }
0x68: {  	v21 =	vld [tilespmem:s2+$0x0];
	vm3 =	vlt.u32 v15, $0x8280  }
0x69: {  	vm0 =	vlt.u32 v16, $0x8280;
	v10 =	vld.idx.msk [tilespmem:v10+s3+$0x0], vm7  }
0x6a: {  	vm1 =	vlt.u32 v17, $0x8280;
	v11 =	vld.idx.msk [tilespmem:v11+s3+$0x0], vm2  }
0x6b: {  	v12 =	vld.idx.msk [tilespmem:v12+s3+$0x0], vm4  }
0x6c: {  	v13 =	vld.idx.msk [tilespmem:v13+s3+$0x0], vm6  }
0x6d: {  	v14 =	vld.idx.msk [tilespmem:v14+s3+$0x0], vm5  }
0x6e: {  	v15 =	vld.idx.msk [tilespmem:v15+s3+$0x0], vm3  }
0x6f: {  	v16 =	vld.idx.msk [tilespmem:v16+s3+$0x0], vm0  }
0x70: {  	v17 =	vld.idx.msk [tilespmem:v17+s3+$0x0], vm1;
	_ =	swait.ge [sflag:s23], $0x8280  }
0x71: {  	[sflag:s23] =	ssyncset.done $0x0  }
0x72: {  	[sflag:s23] =	ssyncadd.s32 $0xFFFF7D80  }
0x73: {  	[tilespmem:s3], [sflag:$0x1] =	stream.strided.gather [hbm4b:s7+s17], $0x8180, s18, s17, $0x38;
	[tilespmem:$0x1C600] =	vst v63  }
0x74: {  	s2 =	simm.s32 $0x105C0  }
0x75: {  	[tilespmem:s24], [sflag:$0x3] =	stream.strided.gather [hbm4b:s8+s17], $0x4000, s18, s17, $0x38;
	[tilespmem:$0x1C600] =	vst v63  }
0x76: {  	v22 =	vld [tilespmem:s2+$0x20]  }
0x77: {  	s30 =	simm.s32 $0x185C0;
	v24 =	vld [tilespmem:s2+$0xFFFFFFE0]  }
0x78: {  	v9 =	vmul.f32 v9, v9;
	v25 =	vld [tilespmem:s30+$0x30]  }
0x79: {  	v26 =	vld [tilespmem:s30+$0x0]  }
0x7a: {  	v7 =	vadd.f32 v7, v8;
	v6 =	vadd.f32 v9, v6;
	v52 =	vld [tilespmem:s30+$0xFFFFFFC0]  }
0x7b: {  	v10 =	vsub.f32 v18, v10;
	v11 =	vsub.f32 v20, v11;
	v53 =	vld [tilespmem:s30+$0xFFFFFFF0]  }
0x7c: {  	v12 =	vsub.f32 v19, v12;
	v5 =	vsub.f32 v5, v13;
	v13 =	vld [tilespmem:s30+$0xFFFFFFE0]  }
0x7d: {  	v10 =	vnsel vm7, $0x0, v10;
	v11 =	vnsel vm2, $0x0, v11;
	v54 =	vld [tilespmem:s30+$0xFFFFFFD0];
	v25 =	vadd.s32 $0xFFFF7D80, v25  }
0x7e: {  	v3 =	vsub.f32 v3, v14;
	v55 =	vld [tilespmem:s30+$0x20];
	v14 =	vadd.s32 $0xFFFF7D80, v26;
	vm12 =	vlt.u32 v25, $0x8280  }
0x7f: {  	v4 =	vsub.f32 v4, v15;
	v56 =	vld [tilespmem:s30+$0x10];
	v15 =	vadd.s32 $0xFFFF7D80, v52;
	vm2 =	vlt.u32 v14, $0x8280  }
0x80: {  	v12 =	vnsel vm4, $0x0, v12;
	v27 =	vld [tilespmem:s2+$0xFFFFFFF0];
	v19 =	vadd.s32 $0xFFFF7D80, v53;
	vm13 =	vlt.u32 v15, $0x8280  }
0x81: {  	v5 =	vnsel vm6, $0x0, v5;
	v28 =	vld [tilespmem:s2+$0xFFFFFFC0];
	v13 =	vadd.s32 $0xFFFF7D80, v13;
	vm14 =	vlt.u32 v19, $0x8280  }
0x82: {  	v0 =	vsub.f32 v0, v16;
	v57 =	vld [tilespmem:s2+$0x0];
	v16 =	vadd.s32 $0xFFFF7D80, v54;
	vm8 =	vlt.u32 v13, $0x8280  }
0x83: {  	v17 =	vsub.f32 v21, v17;
	v59 =	vld [tilespmem:s2+$0x30];
	v58 =	vadd.s32 $0xFFFF7D80, v55;
	vm15 =	vlt.u32 v16, $0x8280  }
0x84: {  	v5 =	vmul.f32 v5, v5;
	v4 =	vnsel vm3, $0x0, v4;
	vm3 =	vlt.u32 v58, $0x8280;
	v25 =	vld.idx.msk [tilespmem:v25+s22+$0x0], vm12  }
0x85: {  	v9 =	vmul.f32 v12, v12;
	v3 =	vnsel vm5, $0x0, v3;
	v0 =	vnsel vm0, $0x0, v0;
	v14 =	vld.idx.msk [tilespmem:v14+s22+$0x0], vm2  }
0x86: {  	v17 =	vnsel vm1, $0x0, v17;
	v3 =	vmul.f32 v3, v3;
	v2 =	vadd.f32 v5, v2;
	v8 =	vld.idx.msk [tilespmem:v15+s22+$0x0], vm13  }
0x87: {  	v5 =	vmul.f32 v10, v10;
	v4 =	vmul.f32 v4, v4;
	v18 =	vadd.s32 $0xFFFF7D80, v56;
	v12 =	vld.idx.msk [tilespmem:v19+s22+$0x0], vm14  }
0x88: {  	v1 =	vadd.f32 v3, v1;
	v3 =	vmul.f32 v11, v11;
	vm0 =	vlt.u32 v18, $0x8280;
	v10 =	vld.idx.msk [tilespmem:v13+s22+$0x0], vm8  }
0x89: {  	v6 =	vadd.f32 v9, v6;
	v0 =	vmul.f32 v0, v0;
	v4 =	vadd.f32 v4, v7;
	v9 =	vld.idx.msk [tilespmem:v16+s22+$0x0], vm15  }
0x8a: {  	v1 =	vadd.f32 v3, v1;
	v3 =	vmul.f32 v17, v17;
	v16 =	vadd.f32 v5, v2;
	v5 =	vld.idx.msk [tilespmem:v58+s22+$0x0], vm3  }
0x8b: {  	v23 =	vld [tilespmem:s2+$0xFFFFFFD0];
	s30 =	simm.s32 $0x10640  }
0x8c: {  	v17 =	vadd.f32 v0, v4;
	v0 =	vld [tilespmem:s30+$0x20];
	v6 =	vadd.f32 v3, v6  }
0x8d: {  	v3 =	vld [tilespmem:s30+$0xFFFFFFD0];
	v2 =	vsub.f32 v59, v25;
	v4 =	vsub.f32 v28, v8  }
0x8e: {  	v15 =	vld.idx.msk [tilespmem:v18+s22+$0x0], vm0;
	v7 =	vsub.f32 v57, v14;
	v10 =	vsub.f32 v24, v10  }
0x8f: {  	v8 =	vld [tilespmem:s2+$0x10];
	v11 =	vsub.f32 v27, v12;
	s2 =	simm.s32 $0x18640;
	v5 =	vsub.f32 v22, v5;
	v14 =	vnsel vm12, $0x0, v2  }
0x90: {  	v61 =	vld [tilespmem:s2+$0x30];
	v4 =	vnsel vm13, $0x0, v4;
	v7 =	vnsel vm2, $0x0, v7;
	v10 =	vnsel vm8, $0x0, v10  }
0x91: {  	v12 =	vld [tilespmem:s2+$0x0];
	v5 =	vnsel vm3, $0x0, v5;
	v60 =	vmul.f32 v4, v4;
	v4 =	vsub.f32 v23, v9  }
0x92: {  	v13 =	vld [tilespmem:s2+$0xFFFFFFC0];
	v9 =	vnsel vm14, $0x0, v11;
	v10 =	vmul.f32 v10, v10;
	v63 =	vmul.f32 v5, v5  }
0x93: {  	v2 =	vld [tilespmem:s30+$0xFFFFFFE0];
	v62 =	vmul.f32 v9, v9;
	v9 =	vnsel vm15, $0x0, v4;
	v4 =	vmul.f32 v7, v7  }
0x94: {  	v11 =	vld [tilespmem:s2+$0xFFFFFFF0];
	v7 =	vadd.f32 v60, v6;
	v1 =	vadd.f32 v10, v1;
	v9 =	vmul.f32 v9, v9  }
0x95: {  	v5 =	vmul.f32 v14, v14;
	v14 =	vld [tilespmem:s2+$0xFFFFFFE0];
	v10 =	vsub.f32 v8, v15;
	v8 =	vadd.f32 v62, v16  }
0x96: {  	s31 =	simm.s32 $0x8;
	v15 =	vld [tilespmem:s2+$0xFFFFFFD0];
	v1 =	vadd.f32 v63, v1;
	v6 =	vadd.f32 v9, v17;
	v9 =	vadd.s32 $0xFFFF7D80, v61  }
.LBB2_4:
0x97: {  	s31 =	sadd.s32 $0x8, s31;
	v12 =	vadd.s32 $0xFFFF7D80, v12;
	v16 =	vld [tilespmem:s2+$0x20];
	vm3 =	vlt.u32 v9, $0x8280;
	v10 =	vnsel vm0, $0x0, v10  }
0x98: {  	v7 =	vadd.f32 v4, v7;
	p0 =	slt.u32 s31, $0x3F8;
	v13 =	vadd.s32 $0xFFFF7D80, v13;
	vm1 =	vlt.u32 v12, $0x8280;
	v17 =	vld [tilespmem:s2+$0x10]  }
0x99: {  	v10 =	vmul.f32 v10, v10;
	vm4 =	vlt.u32 v13, $0x8280;
	v4 =	vld [tilespmem:s30+$0xFFFFFFF0];
	v11 =	vadd.s32 $0xFFFF7D80, v11  }
0x9a: {  	v8 =	vadd.f32 v5, v8;
	v18 =	vld [tilespmem:s30+$0xFFFFFFC0];
	v14 =	vadd.s32 $0xFFFF7D80, v14;
	vm7 =	vlt.u32 v11, $0x8280  }
0x9b: {  	v6 =	vadd.f32 v10, v6;
	v5 =	vadd.s32 $0xFFFF7D80, v15;
	vm6 =	vlt.u32 v14, $0x8280;
	v15 =	vld [tilespmem:s30+$0x0]  }
0x9c: {  	vm5 =	vlt.u32 v5, $0x8280;
	v10 =	vadd.s32 $0xFFFF7D80, v16;
	v16 =	vld [tilespmem:s30+$0x30]  }
0x9d: {  	v17 =	vadd.s32 $0xFFFF7D80, v17;
	vm2 =	vlt.u32 v10, $0x8280;
	v9 =	vld.idx.msk [tilespmem:v9+s22+$0x0], vm3  }
0x9e: {  	v12 =	vld.idx.msk [tilespmem:v12+s22+$0x0], vm1;
	vm0 =	vlt.u32 v17, $0x8280  }
0x9f: {  	v13 =	vld.idx.msk [tilespmem:v13+s22+$0x0], vm4  }
0xa0: {  	v11 =	vld.idx.msk [tilespmem:v11+s22+$0x0], vm7  }
0xa1: {  	v14 =	vld.idx.msk [tilespmem:v14+s22+$0x0], vm6  }
0xa2: {  	v5 =	vld.idx.msk [tilespmem:v5+s22+$0x0], vm5  }
0xa3: {  	v9 =	vsub.f32 v16, v9;
	v10 =	vld.idx.msk [tilespmem:v10+s22+$0x0], vm2  }
0xa4: {  	v12 =	vsub.f32 v15, v12;
	v15 =	vld.idx.msk [tilespmem:v17+s22+$0x0], vm0  }
0xa5: {  	v13 =	vsub.f32 v18, v13;
	v9 =	vnsel vm3, $0x0, v9;
	v16 =	vld [tilespmem:s30+$0x10];
	s30 =	sadd.s32 $0x80, s30  }
0xa6: {  	v4 =	vsub.f32 v4, v11;
	v11 =	vnsel vm1, $0x0, v12;
	v17 =	vld [tilespmem:s30+$0x20]  }
0xa7: {  	v12 =	vnsel vm4, $0x0, v13;
	v13 =	vsub.f32 v2, v14;
	v18 =	vld [tilespmem:s30+$0xFFFFFFD0]  }
0xa8: {  	s2 =	sadd.s32 $0x80, s2;
	v14 =	vmul.f32 v12, v12;
	v3 =	vsub.f32 v3, v5;
	v4 =	vnsel vm7, $0x0, v4;
	v2 =	vld [tilespmem:s30+$0xFFFFFFE0]  }
0xa9: {  	v5 =	vnsel vm6, $0x0, v13;
	v20 =	vmul.f32 v4, v4;
	v22 =	vsub.f32 v0, v10;
	v19 =	vld [tilespmem:s2+$0x30]  }
.Ltmp1:
0xaa: {  	v4 =	vmul.f32 v11, v11;
	v23 =	vnsel vm5, $0x0, v3;
	v10 =	vmul.f32 v5, v5;
	v12 =	vld [tilespmem:s2+$0x0];
	(pc) =	sbr.rel @p0 .LBB2_4-.Ltmp1, $4  }
0xab: {  	v5 =	vmul.f32 v9, v9;
	v21 =	vmul.f32 v23, v23;
	v22 =	vnsel vm2, $0x0, v22;
	v13 =	vld [tilespmem:s2+$0xFFFFFFC0];
	v0 =	vmovc v17  }
0xac: {  	v7 =	vadd.f32 v14, v7;
	v1 =	vadd.f32 v10, v1;
	v17 =	vmul.f32 v22, v22;
	v11 =	vld [tilespmem:s2+$0xFFFFFFF0];
	v3 =	vmovc v18  }
0xad: {  	v10 =	vsub.f32 v16, v15;
	v6 =	vadd.f32 v21, v6;
	v14 =	vld [tilespmem:s2+$0xFFFFFFE0]  }
0xae: {  	v8 =	vadd.f32 v20, v8;
	v1 =	vadd.f32 v17, v1;
	v15 =	vld [tilespmem:s2+$0xFFFFFFD0];
	v9 =	vadd.s32 $0xFFFF7D80, v19  }
0xaf: {  	v16 =	vld [tilespmem:s2+$0x20]  }
0xb0: {  	v12 =	vadd.s32 $0xFFFF7D80, v12;
	vm7 =	vlt.u32 v9, $0x8280;
	v17 =	vld [tilespmem:s2+$0x10]  }
0xb1: {  	v18 =	vld [tilespmem:s30+$0xFFFFFFF0];
	v13 =	vadd.s32 $0xFFFF7D80, v13;
	vm4 =	vlt.u32 v12, $0x8280  }
0xb2: {  	v19 =	vld [tilespmem:s30+$0xFFFFFFC0];
	vm6 =	vlt.u32 v13, $0x8280;
	v11 =	vadd.s32 $0xFFFF7D80, v11  }
0xb3: {  	v20 =	vld [tilespmem:s30+$0x0];
	v14 =	vadd.s32 $0xFFFF7D80, v14;
	vm8 =	vlt.u32 v11, $0x8280  }
0xb4: {  	v21 =	vld [tilespmem:s30+$0x30];
	v15 =	vadd.s32 $0xFFFF7D80, v15;
	vm9 =	vlt.u32 v14, $0x8280  }
0xb5: {  	v22 =	vld [tilespmem:s30+$0x10];
	vm3 =	vlt.u32 v15, $0x8280;
	v16 =	vadd.s32 $0xFFFF7D80, v16  }
0xb6: {  	v17 =	vadd.s32 $0xFFFF7D80, v17;
	vm5 =	vlt.u32 v16, $0x8280;
	v9 =	vld.idx.msk [tilespmem:v9+s22+$0x0], vm7  }
0xb7: {  	vm1 =	vlt.u32 v17, $0x8280;
	v12 =	vld.idx.msk [tilespmem:v12+s22+$0x0], vm4  }
0xb8: {  	v13 =	vld.idx.msk [tilespmem:v13+s22+$0x0], vm6  }
0xb9: {  	v11 =	vld.idx.msk [tilespmem:v11+s22+$0x0], vm8  }
0xba: {  	v14 =	vld.idx.msk [tilespmem:v14+s22+$0x0], vm9  }
0xbb: {  	v15 =	vld.idx.msk [tilespmem:v15+s22+$0x0], vm3  }
0xbc: {  	v16 =	vld.idx.msk [tilespmem:v16+s22+$0x0], vm5  }
0xbd: {  	v17 =	vld.idx.msk [tilespmem:v17+s22+$0x0], vm1;
	_ =	swait.ge [sflag:s21], $0x8180  }
0xbe: {  	[sflag:s21] =	ssyncset.done $0x0  }
0xbf: {  	[sflag:s21] =	ssyncadd.s32 $0xFFFF7E80  }
0xc0: {  	[tilespmem:s22], [sflag:$0x2] =	stream.strided.gather [hbm4b:s9+s17], $0x8280, s18, s17, $0x38;
	[tilespmem:$0x1C600] =	vst v63  }
0xc1: {  	_ = 	snop  }
0xc2: {  	[tilespmem:s25], [sflag:$0x4] =	stream.linear.gather [hbm4b:s10+s3], $0x80, $0x38;
	[tilespmem:$0x1C600] =	vst v63  }
0xc3: {  	_ =	swait.ge [sflag:s26], $0x80  }
0xc4: {  	v10 =	vnsel vm0, $0x0, v10;
	[sflag:s26] =	ssyncset.done $0x0  }
0xc5: {  	s30 =	simm.s32 $0x185C0;
	v10 =	vmul.f32 v10, v10;
	[sflag:s26] =	ssyncadd.s32 $0xFFFFFF80  }
0xc6: {  	v23 =	vld [tilespmem:s30+$0x0]  }
0xc7: {  	v5 =	vadd.f32 v5, v8;
	v8 =	vadd.f32 v10, v6;
	v24 =	vld [tilespmem:s30+$0x30]  }
0xc8: {  	v6 =	vsub.f32 v21, v9;
	v9 =	vsub.f32 v20, v12;
	v25 =	vld [tilespmem:s30+$0xFFFFFFE0]  }
0xc9: {  	v4 =	vadd.f32 v4, v7;
	s2 =	simm.s32 $0x105C0;
	v13 =	vsub.f32 v19, v13;
	v7 =	vld [tilespmem:s30+$0xFFFFFFF0]  }
0xca: {  	v26 =	vnsel vm7, $0x0, v6;
	v11 =	vsub.f32 v18, v11;
	v9 =	vnsel vm4, $0x0, v9;
	v10 =	vld [tilespmem:s2+$0xFFFFFFD0]  }
0xcb: {  	v26 =	vmul.f32 v26, v26;
	v13 =	vnsel vm6, $0x0, v13;
	v2 =	vsub.f32 v2, v14;
	v12 =	vld [tilespmem:s30+$0x10]  }
0xcc: {  	v13 =	vmul.f32 v13, v13;
	v3 =	vsub.f32 v3, v15;
	v11 =	vnsel vm8, $0x0, v11;
	v19 =	vld [tilespmem:s2+$0xFFFFFFF0]  }
0xcd: {  	v2 =	vnsel vm9, $0x0, v2;
	v18 =	vmul.f32 v11, v11;
	v0 =	vsub.f32 v0, v16;
	v6 =	vld [tilespmem:s2+$0xFFFFFFC0]  }
0xce: {  	v3 =	vnsel vm3, $0x0, v3;
	v2 =	vmul.f32 v2, v2;
	v14 =	vld [tilespmem:s30+$0x20];
	v20 =	vadd.s32 $0xFFFEFB00, v23  }
0xcf: {  	v4 =	vadd.f32 v13, v4;
	v15 =	vld [tilespmem:s30+$0xFFFFFFD0];
	v21 =	vadd.s32 $0xFFFEFB00, v24;
	vm2 =	vlt.u32 v20, $0x8180  }
0xd0: {  	v13 =	vsub.f32 v22, v17;
	v28 =	vld [tilespmem:s2+$0x0];
	v27 =	vadd.s32 $0xFFFEFB00, v12;
	vm7 =	vlt.u32 v21, $0x8180  }
0xd1: {  	v3 =	vmul.f32 v3, v3;
	v11 =	vld [tilespmem:s2+$0xFFFFFFE0];
	v12 =	vadd.s32 $0xFFFE7980, v12;
	vm11 =	vlt.u32 v27, $0x8180  }
0xd2: {  	v30 =	vld [tilespmem:s2+$0x30];
	v16 =	vadd.s32 $0xFFFE7980, v23;
	v23 =	vadd.s32 $0xFFFE7980, v24;
	vm10 =	vlt.u32 v12, $0x20  }
0xd3: {  	v0 =	vnsel vm5, $0x0, v0;
	v32 =	vld [tilespmem:s2+$0x10];
	v29 =	vadd.s32 $0xFFFE7980, v7;
	vm13 =	vlt.u32 v23, $0x20  }
0xd4: {  	v1 =	vadd.f32 v2, v1;
	v24 =	vld [tilespmem:s30+$0xFFFFFFC0];
	v7 =	vadd.s32 $0xFFFEFB00, v7;
	vm4 =	vlt.u32 v29, $0x20  }
0xd5: {  	v0 =	vmul.f32 v0, v0;
	v33 =	vadd.s32 $0xFFFEFB00, v25;
	vm12 =	vlt.u32 v7, $0x8180;
	v20 =	vld.idx.msk [tilespmem:v20+s3+$0x0], vm2  }
0xd6: {  	v3 =	vadd.f32 v3, v8;
	v8 =	vadd.s32 $0xFFFEFB00, v15;
	vm14 =	vlt.u32 v33, $0x8180;
	v21 =	vld.idx.msk [tilespmem:v21+s3+$0x0], vm7  }
0xd7: {  	v9 =	vmul.f32 v9, v9;
	v13 =	vnsel vm1, $0x0, v13;
	vm1 =	vlt.u32 v8, $0x8180;
	v27 =	vld.idx.msk [tilespmem:v27+s3+$0x0], vm11  }
0xd8: {  	v22 =	vadd.f32 v0, v1;
	v31 =	vadd.s32 $0xFFFEFB00, v14;
	vm3 =	vlt.u32 v16, $0x20;
	v12 =	vld.idx.msk [tilespmem:v12+s25+$0x0], vm10  }
0xd9: {  	v0 =	vmul.f32 v13, v13;
	v13 =	vadd.s32 $0xFFFE7980, v14;
	vm8 =	vlt.u32 v31, $0x8180;
	v17 =	vld.idx.msk [tilespmem:v23+s25+$0x0], vm13  }
0xda: {  	v5 =	vadd.f32 v18, v5;
	v15 =	vadd.s32 $0xFFFE7980, v15;
	vm9 =	vlt.u32 v13, $0x20;
	v18 =	vld.idx.msk [tilespmem:v29+s25+$0x0], vm4  }
0xdb: {  	v14 =	vadd.f32 v9, v4;
	vm0 =	vlt.u32 v15, $0x20;
	v7 =	vld.idx.msk [tilespmem:v7+s3+$0x0], vm12  }
0xdc: {  	v9 =	vadd.f32 v26, v5;
	v26 =	vadd.f32 v0, v3;
	v3 =	vld.idx.msk [tilespmem:v33+s3+$0x0], vm14  }
0xdd: {  	v8 =	vld.idx.msk [tilespmem:v8+s3+$0x0], vm1  }
0xde: {  	v2 =	vld.idx.msk [tilespmem:v16+s25+$0x0], vm3;
	v16 =	vadd.s32 $0xFFFEFB00, v24;
	v0 =	vsub.f32 v28, v20  }
0xdf: {  	v4 =	vld.idx.msk [tilespmem:v31+s3+$0x0], vm8;
	v23 =	vadd.s32 $0xFFFE7980, v25;
	v1 =	vsub.f32 v30, v21;
	v5 =	vsub.f32 v32, v27  }
0xe0: {  	v13 =	vld.idx.msk [tilespmem:v13+s25+$0x0], vm9;
	vm15 =	vlt.u32 v16, $0x8180;
	v17 =	vsub.f32 v30, v17;
	v12 =	vsub.f32 v32, v12  }
0xe1: {  	v15 =	vld.idx.msk [tilespmem:v15+s25+$0x0], vm0;
	vm5 =	vlt.u32 v23, $0x20;
	v7 =	vsub.f32 v19, v7;
	v3 =	vsub.f32 v11, v3  }
0xe2: {  	v20 =	vadd.s32 $0xFFFE7980, v24;
	v21 =	vld [tilespmem:s2+$0x20];
	s2 =	simm.s32 $0x18640;
	v8 =	vsub.f32 v10, v8;
	v18 =	vsub.f32 v19, v18  }
0xe3: {  	vm6 =	vlt.u32 v20, $0x20;
	v25 =	vld [tilespmem:s2+$0x30];
	v24 =	vnsel vm7, $0x0, v1;
	v1 =	vnsel vm11, $0x0, v5  }
0xe4: {  	v27 =	vld [tilespmem:s2+$0x0];
	v0 =	vnsel vm2, $0x0, v0;
	v17 =	vnsel vm13, $0x0, v17;
	v7 =	vnsel vm12, $0x0, v7  }
0xe5: {  	v61 =	vld [tilespmem:s2+$0xFFFFFFE0];
	v3 =	vnsel vm14, $0x0, v3;
	v1 =	vmul.f32 v1, v1;
	v5 =	vmul.f32 v0, v0  }
0xe6: {  	v16 =	vld.idx.msk [tilespmem:v16+s3+$0x0], vm15;
	v0 =	vsub.f32 v28, v2;
	v2 =	vnsel vm10, $0x0, v12;
	v7 =	vmul.f32 v7, v7  }
0xe7: {  	s30 =	simm.s32 $0x10640;
	v23 =	vld.idx.msk [tilespmem:v23+s25+$0x0], vm5;
	v29 =	vmul.f32 v3, v3;
	v19 =	vmul.f32 v24, v24;
	v24 =	vnsel vm1, $0x0, v8  }
0xe8: {  	v3 =	vld [tilespmem:s30+$0xFFFFFFF0];
	v8 =	vnsel vm4, $0x0, v18;
	v38 =	vmul.f32 v17, v17;
	v2 =	vmul.f32 v2, v2  }
0xe9: {  	v37 =	vmul.f32 v24, v24;
	v4 =	vsub.f32 v21, v4;
	v28 =	vnsel vm3, $0x0, v0;
	v0 =	vld [tilespmem:s30+$0xFFFFFFD0]  }
0xea: {  	v13 =	vsub.f32 v21, v13;
	v21 =	vld [tilespmem:s2+$0x10];
	v62 =	vadd.f32 v29, v22;
	v22 =	vmul.f32 v8, v8  }
0xeb: {  	v29 =	vadd.f32 v7, v9;
	v30 =	vadd.s32 $0xFFFEFB00, v27;
	v12 =	vsub.f32 v6, v16;
	v16 =	vld.idx.msk [tilespmem:v20+s25+$0x0], vm6  }
0xec: {  	v8 =	vld [tilespmem:s30+$0x0];
	v31 =	vadd.s32 $0xFFFEFB00, v25;
	v25 =	vadd.s32 $0xFFFE7980, v25;
	v7 =	vmul.f32 v28, v28  }
0xed: {  	v28 =	vld [tilespmem:s2+$0xFFFFFFD0];
	v42 =	vadd.s32 $0xFFFEFB00, v61;
	v12 =	vnsel vm15, $0x0, v12;
	vm15 =	vlt.u32 v31, $0x8180  }
0xee: {  	v20 =	vld [tilespmem:s2+$0xFFFFFFF0];
	v18 =	vnsel vm8, $0x0, v4;
	vm1 =	vlt.u32 v30, $0x8180;
	v11 =	vsub.f32 v11, v23  }
0xef: {  	v4 =	vld [tilespmem:s30+$0xFFFFFFC0];
	vm12 =	vlt.u32 v25, $0x20;
	v35 =	vmul.f32 v18, v18;
	v12 =	vmul.f32 v12, v12  }
0xf0: {  	v18 =	vld [tilespmem:s2+$0x20];
	v36 =	vadd.s32 $0xFFFEFB00, v21;
	v16 =	vsub.f32 v6, v16;
	v6 =	vnsel vm9, $0x0, v13  }
0xf1: {  	v13 =	vadd.s32 $0xFFFE7980, v27;
	v27 =	vadd.f32 v12, v14;
	v14 =	vsub.f32 v10, v15;
	v15 =	vld [tilespmem:s30+$0x30]  }
0xf2: {  	v21 =	vadd.s32 $0xFFFE7980, v21;
	vm11 =	vlt.u32 v36, $0x8180;
	v9 =	vmul.f32 v6, v6;
	v6 =	vld [tilespmem:s30+$0xFFFFFFE0]  }
0xf3: {  	vm13 =	vlt.u32 v42, $0x8180;
	v11 =	vnsel vm5, $0x0, v11;
	vm8 =	vlt.u32 v21, $0x20;
	v40 =	vld.idx.msk [tilespmem:v31+s3+$0x0], vm15  }
0xf4: {  	v11 =	vmul.f32 v11, v11;
	v17 =	vadd.s32 $0xFFFEFB00, v28;
	v34 =	vadd.s32 $0xFFFEFB00, v20;
	v31 =	vld [tilespmem:s2+$0xFFFFFFC0]  }
0xf5: {  	v41 =	vadd.s32 $0xFFFE7980, v20;
	v10 =	vadd.s32 $0xFFFE7980, v28;
	v12 =	vld.idx.msk [tilespmem:v30+s3+$0x0], vm1;
	vm3 =	vlt.u32 v13, $0x20  }
0xf6: {  	v28 =	vadd.f32 v22, v29;
	v33 =	vadd.f32 v11, v62;
	vm4 =	vlt.u32 v41, $0x20;
	v29 =	vld.idx.msk [tilespmem:v25+s25+$0x0], vm12  }
0xf7: {  	vm7 =	vlt.u32 v34, $0x8180;
	v39 =	vadd.s32 $0xFFFEFB00, v18;
	v24 =	vnsel vm6, $0x0, v16;
	v16 =	vld [tilespmem:s30+$0x10]  }
0xf8: {  	v22 =	vadd.s32 $0xFFFE7980, v18;
	vm6 =	vlt.u32 v17, $0x8180;
	vm9 =	vlt.u32 v39, $0x8180;
	v36 =	vld.idx.msk [tilespmem:v36+s3+$0x0], vm11  }
0xf9: {  	v20 =	vnsel vm0, $0x0, v14;
	v19 =	vadd.f32 v19, v28;
	v23 =	vld.idx.msk [tilespmem:v21+s25+$0x0], vm8;
	v30 =	vadd.s32 $0xFFFEFB00, v31  }
0xfa: {  	vm10 =	vlt.u32 v22, $0x20;
	v21 =	vadd.f32 v37, v26;
	v26 =	vld.idx.msk [tilespmem:v42+s3+$0x0], vm13;
	vm14 =	vlt.u32 v30, $0x8180  }
0xfb: {  	vm0 =	vlt.u32 v10, $0x20;
	v18 =	vmul.f32 v24, v24;
	v11 =	vadd.f32 v38, v19;
	v14 =	vld.idx.msk [tilespmem:v13+s25+$0x0], vm3  }
0xfc: {  	v13 =	vmul.f32 v20, v20;
	v20 =	vsub.f32 v8, v12;
	v12 =	vld.idx.msk [tilespmem:v41+s25+$0x0], vm4;
	v24 =	vadd.s32 $0xFFFE7980, v31  }
0xfd: {  	v28 =	vld.idx.msk [tilespmem:v34+s3+$0x0], vm7;
	v31 =	vadd.f32 v18, v27;
	v63 =	vsub.f32 v15, v40;
	vm2 =	vlt.u32 v24, $0x20  }
0xfe: {  	v25 =	vld.idx.msk [tilespmem:v39+s3+$0x0], vm9;
	v27 =	vadd.f32 v13, v21;
	v21 =	vadd.s32 $0xFFFE7980, v61;
	v32 =	vsub.f32 v16, v36  }
0xff: {  	s31 =	simm.s32 $0x8;
	s2 =	simm.s32 $0x186C0;
	v18 =	vld [tilespmem:s30+$0x20];
	v13 =	vadd.f32 v35, v33;
	vm5 =	vlt.u32 v21, $0x20;
	v19 =	vnsel vm15, $0x0, v63  }
.LBB2_6:
0x100: {  	s31 =	sadd.s32 $0x8, s31;
	v30 =	vld.idx.msk [tilespmem:v30+s3+$0x0], vm14;
	v32 =	vnsel vm11, $0x0, v32;
	v15 =	vsub.f32 v15, v29;
	s30 =	sadd.s32 $0x80, s30;
	v5 =	vadd.f32 v5, v31  }
0x101: {  	v16 =	vsub.f32 v16, v23;
	p0 =	slt.u32 s31, $0x3F8;
	v17 =	vld.idx.msk [tilespmem:v17+s3+$0x0], vm6;
	v29 =	vmul.f32 v32, v32;
	v9 =	vadd.f32 v9, v13  }
0x102: {  	v28 =	vsub.f32 v3, v28;
	v13 =	vnsel vm1, $0x0, v20;
	v23 =	vld [tilespmem:s2+$0x30];
	v20 =	vadd.f32 v7, v5  }
0x103: {  	v5 =	vmul.f32 v13, v13;
	v7 =	vsub.f32 v8, v14;
	v14 =	vnsel vm12, $0x0, v15;
	v8 =	vld.idx.msk [tilespmem:v22+s25+$0x0], vm10  }
0x104: {  	v16 =	vnsel vm8, $0x0, v16;
	v15 =	vld [tilespmem:s2+$0x0];
	v22 =	vsub.f32 v18, v25;
	v25 =	vadd.f32 v1, v27;
	v1 =	vmovc v29  }
0x105: {  	v26 =	vsub.f32 v6, v26;
	v16 =	vmul.f32 v16, v16;
	v27 =	vnsel vm7, $0x0, v28;
	v13 =	vld [tilespmem:s2+$0xFFFFFFE0]  }
0x106: {  	v28 =	vsub.f32 v4, v30;
	v27 =	vmul.f32 v27, v27;
	v24 =	vld.idx.msk [tilespmem:v24+s25+$0x0], vm2;
	v25 =	vadd.f32 v2, v25  }
0x107: {  	v7 =	vnsel vm3, $0x0, v7;
	v26 =	vnsel vm13, $0x0, v26;
	v17 =	vsub.f32 v0, v17;
	v2 =	vmovc v16;
	v29 =	vld [tilespmem:s2+$0xFFFFFFF0]  }
0x108: {  	v12 =	vsub.f32 v3, v12;
	v26 =	vmul.f32 v26, v26;
	v28 =	vnsel vm14, $0x0, v28;
	v16 =	vld [tilespmem:s30+$0xFFFFFFD0]  }
0x109: {  	v28 =	vmul.f32 v28, v28;
	v8 =	vsub.f32 v18, v8;
	v18 =	vmul.f32 v19, v19;
	v3 =	vld [tilespmem:s30+$0xFFFFFFF0]  }
0x10a: {  	v12 =	vnsel vm4, $0x0, v12;
	v22 =	vnsel vm9, $0x0, v22;
	v17 =	vnsel vm6, $0x0, v17;
	v19 =	vld [tilespmem:s2+$0x10]  }
0x10b: {  	v32 =	vadd.s32 $0xFFFEFB00, v23;
	v26 =	vadd.f32 v26, v9;
	v31 =	vadd.s32 $0xFFFEFB00, v15;
	v30 =	vld [tilespmem:s30+$0xFFFFFFC0]  }
0x10c: {  	v12 =	vmul.f32 v12, v12;
	vm15 =	vlt.u32 v32, $0x8180;
	vm1 =	vlt.u32 v31, $0x8180;
	v10 =	vld.idx.msk [tilespmem:v10+s25+$0x0], vm0  }
0x10d: {  	v34 =	vadd.s32 $0xFFFE7980, v23;
	v35 =	vmul.f32 v22, v22;
	v33 =	vadd.s32 $0xFFFEFB00, v29;
	v21 =	vld.idx.msk [tilespmem:v21+s25+$0x0], vm5  }
0x10e: {  	v7 =	vmul.f32 v7, v7;
	v11 =	vadd.f32 v27, v11;
	v23 =	vsub.f32 v4, v24;
	v22 =	vld [tilespmem:s2+$0x20]  }
0x10f: {  	v36 =	vnsel vm10, $0x0, v8;
	v24 =	vld [tilespmem:s2+$0xFFFFFFD0];
	v27 =	vadd.s32 $0xFFFEFB00, v19;
	v19 =	vadd.s32 $0xFFFE7980, v19  }
0x110: {  	v9 =	vmul.f32 v36, v36;
	v8 =	vld [tilespmem:s30+$0x0];
	vm11 =	vlt.u32 v27, $0x8180;
	vm8 =	vlt.u32 v19, $0x20;
	v4 =	vmovc v30  }
0x111: {  	v37 =	vadd.f32 v28, v20;
	v36 =	vadd.s32 $0xFFFE7980, v15;
	vm7 =	vlt.u32 v33, $0x8180;
	v30 =	vld [tilespmem:s30+$0xFFFFFFE0]  }
0x112: {  	v38 =	vmul.f32 v14, v14;
	v28 =	vmul.f32 v17, v17;
	vm3 =	vlt.u32 v36, $0x20;
	v20 =	vld.idx.msk [tilespmem:v31+s3+$0x0], vm1  }
0x113: {  	v31 =	vnsel vm2, $0x0, v23;
	v23 =	vsub.f32 v6, v21;
	v39 =	vadd.s32 $0xFFFEFB00, v22;
	v32 =	vld.idx.msk [tilespmem:v32+s3+$0x0], vm15  }
0x114: {  	vm12 =	vlt.u32 v34, $0x20;
	v40 =	vadd.s32 $0xFFFE7980, v29;
	v14 =	vsub.f32 v0, v10;
	v0 =	vmovc v16;
	v21 =	vld [tilespmem:s2+$0xFFFFFFC0]  }
0x115: {  	vm4 =	vlt.u32 v40, $0x20;
	v17 =	vadd.s32 $0xFFFEFB00, v24;
	v29 =	vnsel vm5, $0x0, v23;
	v15 =	vld [tilespmem:s30+$0x30]  }
0x116: {  	v41 =	vadd.s32 $0xFFFEFB00, v13;
	v10 =	vadd.s32 $0xFFFE7980, v24;
	vm6 =	vlt.u32 v17, $0x8180;
	v16 =	vld [tilespmem:s30+$0x10];
	v6 =	vmovc v30  }
0x117: {  	v11 =	vadd.f32 v12, v11;
	vm9 =	vlt.u32 v39, $0x8180;
	v23 =	vnsel vm0, $0x0, v14;
	v42 =	vld.idx.msk [tilespmem:v27+s3+$0x0], vm11  }
0x118: {  	vm13 =	vlt.u32 v41, $0x8180;
	v22 =	vadd.s32 $0xFFFE7980, v22;
	v27 =	vmul.f32 v23, v23;
	v14 =	vld.idx.msk [tilespmem:v36+s25+$0x0], vm3  }
0x119: {  	v20 =	vsub.f32 v8, v20;
	v30 =	vadd.s32 $0xFFFEFB00, v21;
	v23 =	vld.idx.msk [tilespmem:v19+s25+$0x0], vm8;
	v19 =	vmul.f32 v29, v29  }
0x11a: {  	v11 =	vadd.f32 v18, v11;
	v31 =	vmul.f32 v31, v31;
	vm14 =	vlt.u32 v30, $0x8180;
	v29 =	vld.idx.msk [tilespmem:v34+s25+$0x0], vm12  }
.Ltmp2:
0x11b: {  	v18 =	vadd.f32 v28, v25;
	vm10 =	vlt.u32 v22, $0x20;
	v24 =	vadd.s32 $0xFFFE7980, v21;
	v12 =	vld.idx.msk [tilespmem:v40+s25+$0x0], vm4;
	(pc) =	sbr.rel @p0 .LBB2_6-.Ltmp2, $4  }
0x11c: {  	v31 =	vadd.f32 v31, v37;
	vm2 =	vlt.u32 v24, $0x20;
	v28 =	vld.idx.msk [tilespmem:v33+s3+$0x0], vm7;
	v33 =	vadd.f32 v19, v26  }
0x11d: {  	vm0 =	vlt.u32 v10, $0x20;
	v27 =	vadd.f32 v27, v18;
	v19 =	vsub.f32 v15, v32;
	v25 =	vld.idx.msk [tilespmem:v39+s3+$0x0], vm9  }
0x11e: {  	v11 =	vadd.f32 v38, v11;
	v21 =	vadd.s32 $0xFFFE7980, v13;
	v32 =	vsub.f32 v16, v42;
	v26 =	vld.idx.msk [tilespmem:v41+s3+$0x0], vm13  }
0x11f: {  	s2 =	sadd.s32 $0x80, s2;
	vm5 =	vlt.u32 v21, $0x20;
	v19 =	vnsel vm15, $0x0, v19;
	v13 =	vadd.f32 v35, v33;
	v18 =	vld [tilespmem:s30+$0x20]  }
0x120: {  	_ =	sdelay $0x4  }
0x121: {  	v30 =	vld.idx.msk [tilespmem:v30+s3+$0x0], vm14  }
0x122: {  	v17 =	vld.idx.msk [tilespmem:v17+s3+$0x0], vm6  }
0x123: {  	v22 =	vld.idx.msk [tilespmem:v22+s25+$0x0], vm10  }
0x124: {  	v24 =	vld.idx.msk [tilespmem:v24+s25+$0x0], vm2  }
0x125: {  	v10 =	vld.idx.msk [tilespmem:v10+s25+$0x0], vm0  }
0x126: {  	v21 =	vld.idx.msk [tilespmem:v21+s25+$0x0], vm5;
	_ =	swait.ge [sflag:s23], $0x8280  }
0x127: {  	[sflag:s23] =	ssyncset.done $0x0  }
0x128: {  	[sflag:s23] =	ssyncadd.s32 $0xFFFF7D80  }
0x129: {  	[tilespmem:s3], [sflag:$0x1] =	stream.strided.gather [hbm4b:s11+s17], $0x8280, s18, s17, $0x38;
	[tilespmem:$0x1C600] =	vst v63  }
0x12a: {  	v32 =	vnsel vm11, $0x0, v32;
	v15 =	vsub.f32 v15, v29;
	_ =	swait.ge [sflag:s20], $0x4000  }
0x12b: {  	v5 =	vadd.f32 v5, v31;
	v16 =	vsub.f32 v16, v23;
	v20 =	vnsel vm1, $0x0, v20;
	[sflag:s20] =	ssyncset.done $0x0  }
0x12c: {  	s2 =	simm.s32 $0x145C0;
	v8 =	vsub.f32 v8, v14;
	v1 =	vadd.f32 v1, v27;
	v19 =	vmul.f32 v19, v19;
	[sflag:s20] =	ssyncadd.s32 $0xFFFFC000  }
0x12d: {  	v47 =	vmul.f32 v32, v32;
	v9 =	vadd.f32 v9, v13;
	v13 =	vsub.f32 v3, v28;
	v48 =	vld [tilespmem:s2+$0x10]  }
0x12e: {  	v3 =	vsub.f32 v3, v12;
	v5 =	vadd.f32 v7, v5;
	v7 =	vmul.f32 v20, v20;
	v14 =	vld [tilespmem:s2+$0xFFFFFFD0]  }
0x12f: {  	v15 =	vnsel vm12, $0x0, v15;
	v16 =	vnsel vm8, $0x0, v16;
	v1 =	vadd.f32 v2, v1;
	v49 =	vld [tilespmem:s2+$0xFFFFFFE0]  }
0x130: {  	s30 =	simm.s32 $0x185C0;
	v8 =	vnsel vm3, $0x0, v8;
	v26 =	vsub.f32 v6, v26;
	v13 =	vnsel vm7, $0x0, v13;
	v50 =	vld [tilespmem:s2+$0xFFFFFFF0]  }
0x131: {  	v3 =	vnsel vm4, $0x0, v3;
	v25 =	vsub.f32 v18, v25;
	v13 =	vmul.f32 v13, v13;
	v2 =	vld [tilespmem:s30+$0x30]  }
0x132: {  	v3 =	vmul.f32 v3, v3;
	v51 =	vsub.f32 v4, v30;
	v17 =	vsub.f32 v0, v17;
	v52 =	vld [tilespmem:s30+$0x20]  }
0x133: {  	v26 =	vnsel vm13, $0x0, v26;
	v53 =	vsub.f32 v18, v22;
	v4 =	vsub.f32 v4, v24;
	v12 =	vld [tilespmem:s30+$0xFFFFFFC0]  }
0x134: {  	v6 =	vsub.f32 v6, v21;
	v0 =	vsub.f32 v0, v10;
	v26 =	vmul.f32 v26, v26;
	v54 =	vld [tilespmem:s30+$0xFFFFFFF0]  }
0x135: {  	v25 =	vnsel vm9, $0x0, v25;
	v11 =	vadd.f32 v13, v11;
	v28 =	vnsel vm14, $0x0, v51;
	v55 =	vld [tilespmem:s30+$0xFFFFFFE0]  }
0x136: {  	v17 =	vnsel vm6, $0x0, v17;
	v25 =	vmul.f32 v25, v25;
	v57 =	vld [tilespmem:s30+$0x10];
	vm3 =	vlt.u32 v2, $0x8280  }
0x137: {  	v56 =	vld [tilespmem:s30+$0xFFFFFFD0];
	v13 =	vnsel vm10, $0x0, v53;
	v4 =	vnsel vm2, $0x0, v4;
	vm6 =	vlt.u32 v52, $0x8280  }
0x138: {  	v58 =	vld [tilespmem:s30+$0x0];
	v6 =	vnsel vm5, $0x0, v6;
	v0 =	vnsel vm0, $0x0, v0;
	vm4 =	vlt.u32 v12, $0x8280  }
0x139: {  	v59 =	vld [tilespmem:s2+$0x30];
	v28 =	vmul.f32 v28, v28;
	v9 =	vadd.f32 v26, v9;
	vm7 =	vlt.u32 v54, $0x8280  }
0x13a: {  	v10 =	vld [tilespmem:s2+$0xFFFFFFC0];
	v17 =	vmul.f32 v17, v17;
	v6 =	vmul.f32 v6, v6;
	vm12 =	vlt.u32 v55, $0x8280  }
0x13b: {  	v60 =	vld [tilespmem:s2+$0x20];
	v3 =	vadd.f32 v3, v11;
	v4 =	vmul.f32 v4, v4;
	vm14 =	vlt.u32 v57, $0x8280  }
0x13c: {  	v5 =	vadd.f32 v28, v5;
	v1 =	vadd.f32 v17, v1;
	vm13 =	vlt.u32 v56, $0x8280;
	v2 =	vld.idx.msk [tilespmem:v2+s22+$0x0], vm3  }
0x13d: {  	v0 =	vmul.f32 v0, v0;
	v6 =	vadd.f32 v6, v9;
	v3 =	vadd.f32 v19, v3;
	v11 =	vld.idx.msk [tilespmem:v52+s22+$0x0], vm6  }
0x13e: {  	vm15 =	vlt.u32 v58, $0x8280;
	v4 =	vadd.f32 v4, v5;
	v9 =	vld.idx.msk [tilespmem:v12+s22+$0x0], vm4;
	v12 =	vmul.f32 v15, v15  }
0x13f: {  	v13 =	vmul.f32 v13, v13;
	v0 =	vadd.f32 v0, v1;
	v1 =	vadd.f32 v25, v6;
	v5 =	vld.idx.msk [tilespmem:v54+s22+$0x0], vm7  }
0x140: {  	v8 =	vmul.f32 v8, v8;
	v6 =	vld.idx.msk [tilespmem:v55+s22+$0x0], vm12;
	v12 =	vadd.f32 v12, v3;
	v3 =	vadd.f32 v7, v4  }
0x141: {  	v1 =	vadd.f32 v13, v1;
	v0 =	vadd.f32 v47, v0;
	v13 =	vld.idx.msk [tilespmem:v57+s22+$0x0], vm14;
	v4 =	vmul.f32 v16, v16  }
0x142: {  	v7 =	vld.idx.msk [tilespmem:v56+s22+$0x0], vm13;
	v8 =	vadd.f32 v8, v3  }
0x143: {  	v61 =	vld [tilespmem:s2+$0x0];
	v16 =	vadd.f32 v4, v0;
	v2 =	vsub.f32 v59, v2  }
0x144: {  	s2 =	simm.s32 $0x14640;
	v15 =	vld.idx.msk [tilespmem:v58+s22+$0x0], vm15;
	v3 =	vsub.f32 v60, v11;
	v9 =	vsub.f32 v10, v9  }
0x145: {  	v0 =	vld [tilespmem:s2+$0x10];
	v5 =	vsub.f32 v50, v5;
	v6 =	vsub.f32 v49, v6  }
0x146: {  	v4 =	vld [tilespmem:s2+$0xFFFFFFD0];
	v13 =	vsub.f32 v48, v13;
	v2 =	vnsel vm3, $0x0, v2;
	v10 =	vnsel vm6, $0x0, v3  }
0x147: {  	v11 =	vnsel vm4, $0x0, v9;
	v3 =	vld [tilespmem:s2+$0xFFFFFFE0];
	v7 =	vsub.f32 v14, v7;
	v9 =	vnsel vm7, $0x0, v5  }
0x148: {  	s30 =	simm.s32 $0x18640;
	v5 =	vld [tilespmem:s2+$0xFFFFFFF0];
	v6 =	vnsel vm12, $0x0, v6;
	v2 =	vmul.f32 v2, v2;
	v62 =	vmul.f32 v10, v10  }
0x149: {  	v10 =	vmul.f32 v9, v9;
	v9 =	vld [tilespmem:s30+$0x30];
	v6 =	vmul.f32 v6, v6;
	v7 =	vnsel vm13, $0x0, v7  }
0x14a: {  	v15 =	vsub.f32 v61, v15;
	v14 =	vmul.f32 v11, v11;
	v11 =	vld [tilespmem:s30+$0x20];
	v63 =	vmul.f32 v7, v7  }
0x14b: {  	v10 =	vadd.f32 v10, v12;
	v7 =	vnsel vm14, $0x0, v13;
	v12 =	vld [tilespmem:s30+$0xFFFFFFC0];
	v1 =	vadd.f32 v6, v1  }
0x14c: {  	v6 =	vadd.f32 v14, v8;
	v13 =	vld [tilespmem:s30+$0xFFFFFFF0];
	v7 =	vmul.f32 v7, v7;
	v8 =	vadd.f32 v63, v16  }
0x14d: {  	s31 =	simm.s32 $0x8;
	v14 =	vld [tilespmem:s30+$0xFFFFFFE0];
	v2 =	vadd.f32 v2, v10;
	v10 =	vnsel vm15, $0x0, v15;
	v1 =	vadd.f32 v62, v1  }
.LBB2_8:
0x14e: {  	s31 =	sadd.s32 $0x8, s31;
	v15 =	vld [tilespmem:s30+$0xFFFFFFD0];
	vm6 =	vlt.u32 v9, $0x8280;
	v10 =	vmul.f32 v10, v10;
	v8 =	vadd.f32 v7, v8  }
0x14f: {  	p0 =	slt.u32 s31, $0x3F8;
	v7 =	vld [tilespmem:s30+$0x10];
	vm7 =	vlt.u32 v11, $0x8280  }
0x150: {  	vm5 =	vlt.u32 v12, $0x8280;
	v16 =	vld [tilespmem:s30+$0x0];
	v6 =	vadd.f32 v10, v6  }
0x151: {  	vm3 =	vlt.u32 v13, $0x8280;
	v10 =	vld [tilespmem:s2+$0x30]  }
0x152: {  	v17 =	vld [tilespmem:s2+$0xFFFFFFC0];
	vm4 =	vlt.u32 v14, $0x8280  }
0x153: {  	vm2 =	vlt.u32 v15, $0x8280;
	v18 =	vld [tilespmem:s2+$0x20]  }
0x154: {  	vm1 =	vlt.u32 v7, $0x8280;
	v9 =	vld.idx.msk [tilespmem:v9+s22+$0x0], vm6  }
0x155: {  	vm0 =	vlt.u32 v16, $0x8280;
	v11 =	vld.idx.msk [tilespmem:v11+s22+$0x0], vm7  }
0x156: {  	v12 =	vld.idx.msk [tilespmem:v12+s22+$0x0], vm5  }
0x157: {  	v13 =	vld.idx.msk [tilespmem:v13+s22+$0x0], vm3  }
0x158: {  	v14 =	vld.idx.msk [tilespmem:v14+s22+$0x0], vm4  }
0x159: {  	v15 =	vld.idx.msk [tilespmem:v15+s22+$0x0], vm2  }
0x15a: {  	v9 =	vsub.f32 v10, v9;
	v7 =	vld.idx.msk [tilespmem:v7+s22+$0x0], vm1  }
0x15b: {  	v11 =	vsub.f32 v18, v11;
	v10 =	vld.idx.msk [tilespmem:v16+s22+$0x0], vm0  }
0x15c: {  	v12 =	vsub.f32 v17, v12;
	v9 =	vnsel vm6, $0x0, v9;
	v16 =	vld [tilespmem:s2+$0x0];
	s2 =	sadd.s32 $0x80, s2  }
0x15d: {  	v5 =	vsub.f32 v5, v13;
	v11 =	vnsel vm7, $0x0, v11;
	v18 =	vmul.f32 v9, v9;
	v17 =	vld [tilespmem:s2+$0x10]  }
0x15e: {  	v9 =	vnsel vm5, $0x0, v12;
	v12 =	vsub.f32 v3, v14;
	v19 =	vmul.f32 v11, v11;
	v13 =	vld [tilespmem:s2+$0xFFFFFFD0]  }
0x15f: {  	v11 =	vmul.f32 v9, v9;
	v4 =	vsub.f32 v4, v15;
	v9 =	vnsel vm3, $0x0, v5;
	v3 =	vld [tilespmem:s2+$0xFFFFFFE0]  }
0x160: {  	s30 =	sadd.s32 $0x80, s30;
	v12 =	vnsel vm4, $0x0, v12;
	v14 =	vmul.f32 v9, v9;
	v20 =	vsub.f32 v0, v7;
	v5 =	vld [tilespmem:s2+$0xFFFFFFF0]  }
.Ltmp3:
0x161: {  	v6 =	vadd.f32 v11, v6;
	v21 =	vnsel vm2, $0x0, v4;
	v7 =	vmul.f32 v12, v12;
	v9 =	vld [tilespmem:s30+$0x30];
	(pc) =	sbr.rel @p0 .LBB2_8-.Ltmp3, $4  }
0x162: {  	v15 =	vmul.f32 v21, v21;
	v2 =	vadd.f32 v14, v2;
	v14 =	vnsel vm1, $0x0, v20;
	v11 =	vld [tilespmem:s30+$0x20];
	v0 =	vmovc v17  }
0x163: {  	v10 =	vsub.f32 v16, v10;
	v1 =	vadd.f32 v7, v1;
	v7 =	vmul.f32 v14, v14;
	v12 =	vld [tilespmem:s30+$0xFFFFFFC0];
	v4 =	vmovc v13  }
0x164: {  	v8 =	vadd.f32 v15, v8;
	v2 =	vadd.f32 v18, v2;
	v13 =	vld [tilespmem:s30+$0xFFFFFFF0]  }
0x165: {  	v10 =	vnsel vm0, $0x0, v10;
	v1 =	vadd.f32 v19, v1;
	v14 =	vld [tilespmem:s30+$0xFFFFFFE0]  }
0x166: {  	v15 =	vld [tilespmem:s30+$0xFFFFFFD0]  }
0x167: {  	vm7 =	vlt.u32 v9, $0x8280;
	v16 =	vld [tilespmem:s30+$0x10]  }
0x168: {  	v17 =	vld [tilespmem:s30+$0x0];
	vm2 =	vlt.u32 v11, $0x8280  }
0x169: {  	v18 =	vld [tilespmem:s2+$0x30];
	vm4 =	vlt.u32 v12, $0x8280  }
0x16a: {  	v19 =	vld [tilespmem:s2+$0xFFFFFFC0];
	vm6 =	vlt.u32 v13, $0x8280  }
0x16b: {  	v20 =	vld [tilespmem:s2+$0x20];
	vm5 =	vlt.u32 v14, $0x8280  }
0x16c: {  	v21 =	vld [tilespmem:s2+$0x0];
	vm3 =	vlt.u32 v15, $0x8280  }
0x16d: {  	vm0 =	vlt.u32 v16, $0x8280;
	v9 =	vld.idx.msk [tilespmem:v9+s22+$0x0], vm7  }
0x16e: {  	vm1 =	vlt.u32 v17, $0x8280;
	v11 =	vld.idx.msk [tilespmem:v11+s22+$0x0], vm2  }
0x16f: {  	v12 =	vld.idx.msk [tilespmem:v12+s22+$0x0], vm4  }
0x170: {  	v13 =	vld.idx.msk [tilespmem:v13+s22+$0x0], vm6  }
0x171: {  	v14 =	vld.idx.msk [tilespmem:v14+s22+$0x0], vm5  }
0x172: {  	v15 =	vld.idx.msk [tilespmem:v15+s22+$0x0], vm3  }
0x173: {  	v16 =	vld.idx.msk [tilespmem:v16+s22+$0x0], vm0  }
0x174: {  	v17 =	vld.idx.msk [tilespmem:v17+s22+$0x0], vm1;
	_ =	swait.ge [sflag:s21], $0x8280  }
0x175: {  	[sflag:s21] =	ssyncset.done $0x0  }
0x176: {  	s2 =	simm.s32 $0x145C0;
	[sflag:s21] =	ssyncadd.s32 $0xFFFF7D80  }
0x177: {  	[tilespmem:s22], [sflag:$0x2] =	stream.strided.gather [hbm4b:s12+s17], $0x8180, s18, s17, $0x38;
	[tilespmem:$0x1C600] =	vst v63  }
0x178: {  	v22 =	vld [tilespmem:s2+$0x20]  }
0x179: {  	s30 =	simm.s32 $0x185C0;
	v24 =	vld [tilespmem:s2+$0xFFFFFFE0]  }
0x17a: {  	v10 =	vmul.f32 v10, v10;
	v25 =	vld [tilespmem:s30+$0x30]  }
0x17b: {  	v26 =	vld [tilespmem:s30+$0x0]  }
0x17c: {  	v7 =	vadd.f32 v7, v8;
	v6 =	vadd.f32 v10, v6;
	v52 =	vld [tilespmem:s30+$0xFFFFFFC0]  }
0x17d: {  	v9 =	vsub.f32 v18, v9;
	v11 =	vsub.f32 v20, v11;
	v53 =	vld [tilespmem:s30+$0xFFFFFFF0]  }
0x17e: {  	v12 =	vsub.f32 v19, v12;
	v5 =	vsub.f32 v5, v13;
	v13 =	vld [tilespmem:s30+$0xFFFFFFE0]  }
0x17f: {  	v9 =	vnsel vm7, $0x0, v9;
	v11 =	vnsel vm2, $0x0, v11;
	v54 =	vld [tilespmem:s30+$0xFFFFFFD0];
	v25 =	vadd.s32 $0xFFFF7D80, v25  }
0x180: {  	v3 =	vsub.f32 v3, v14;
	v55 =	vld [tilespmem:s30+$0x20];
	v14 =	vadd.s32 $0xFFFF7D80, v26;
	vm12 =	vlt.u32 v25, $0x8280  }
0x181: {  	v56 =	vld [tilespmem:s30+$0x10];
	v4 =	vsub.f32 v4, v15;
	v15 =	vadd.s32 $0xFFFF7D80, v52;
	vm2 =	vlt.u32 v14, $0x8280  }
0x182: {  	v12 =	vnsel vm4, $0x0, v12;
	v27 =	vld [tilespmem:s2+$0xFFFFFFF0];
	v19 =	vadd.s32 $0xFFFF7D80, v53;
	vm13 =	vlt.u32 v15, $0x8280  }
0x183: {  	v28 =	vld [tilespmem:s2+$0xFFFFFFC0];
	v5 =	vnsel vm6, $0x0, v5;
	v13 =	vadd.s32 $0xFFFF7D80, v13;
	vm14 =	vlt.u32 v19, $0x8280  }
0x184: {  	v57 =	vld [tilespmem:s2+$0x0];
	v0 =	vsub.f32 v0, v16;
	v16 =	vadd.s32 $0xFFFF7D80, v54;
	vm8 =	vlt.u32 v13, $0x8280  }
0x185: {  	v59 =	vld [tilespmem:s2+$0x30];
	v17 =	vsub.f32 v21, v17;
	v58 =	vadd.s32 $0xFFFF7D80, v55;
	vm15 =	vlt.u32 v16, $0x8280  }
0x186: {  	v5 =	vmul.f32 v5, v5;
	v4 =	vnsel vm3, $0x0, v4;
	vm3 =	vlt.u32 v58, $0x8280;
	v25 =	vld.idx.msk [tilespmem:v25+s3+$0x0], vm12  }
0x187: {  	v10 =	vmul.f32 v12, v12;
	v3 =	vnsel vm5, $0x0, v3;
	v0 =	vnsel vm0, $0x0, v0;
	v14 =	vld.idx.msk [tilespmem:v14+s3+$0x0], vm2  }
0x188: {  	v17 =	vnsel vm1, $0x0, v17;
	v3 =	vmul.f32 v3, v3;
	v2 =	vadd.f32 v5, v2;
	v8 =	vld.idx.msk [tilespmem:v15+s3+$0x0], vm13  }
0x189: {  	v5 =	vmul.f32 v9, v9;
	v4 =	vmul.f32 v4, v4;
	v18 =	vadd.s32 $0xFFFF7D80, v56;
	v12 =	vld.idx.msk [tilespmem:v19+s3+$0x0], vm14  }
0x18a: {  	v1 =	vadd.f32 v3, v1;
	v3 =	vmul.f32 v11, v11;
	vm0 =	vlt.u32 v18, $0x8280;
	v9 =	vld.idx.msk [tilespmem:v13+s3+$0x0], vm8  }
0x18b: {  	v6 =	vadd.f32 v10, v6;
	v0 =	vmul.f32 v0, v0;
	v4 =	vadd.f32 v4, v7;
	v10 =	vld.idx.msk [tilespmem:v16+s3+$0x0], vm15  }
0x18c: {  	v1 =	vadd.f32 v3, v1;
	v3 =	vmul.f32 v17, v17;
	v16 =	vadd.f32 v5, v2;
	v5 =	vld.idx.msk [tilespmem:v58+s3+$0x0], vm3  }
0x18d: {  	v23 =	vld [tilespmem:s2+$0xFFFFFFD0];
	s30 =	simm.s32 $0x14640  }
0x18e: {  	v17 =	vadd.f32 v0, v4;
	v0 =	vld [tilespmem:s30+$0x20];
	v6 =	vadd.f32 v3, v6  }
0x18f: {  	v3 =	vld [tilespmem:s30+$0xFFFFFFD0];
	v2 =	vsub.f32 v59, v25;
	v4 =	vsub.f32 v28, v8  }
0x190: {  	v15 =	vld.idx.msk [tilespmem:v18+s3+$0x0], vm0;
	v7 =	vsub.f32 v57, v14;
	v11 =	vsub.f32 v27, v12  }
0x191: {  	v8 =	vld [tilespmem:s2+$0x10];
	v9 =	vsub.f32 v24, v9;
	s2 =	simm.s32 $0x18640;
	v5 =	vsub.f32 v22, v5;
	v4 =	vnsel vm13, $0x0, v4  }
0x192: {  	v61 =	vld [tilespmem:s2+$0x30];
	v14 =	vnsel vm12, $0x0, v2;
	v60 =	vmul.f32 v4, v4;
	v4 =	vsub.f32 v23, v10  }
0x193: {  	v12 =	vld [tilespmem:s2+$0x0];
	v9 =	vnsel vm8, $0x0, v9;
	v5 =	vnsel vm3, $0x0, v5;
	v10 =	vnsel vm14, $0x0, v11  }
0x194: {  	v13 =	vld [tilespmem:s2+$0xFFFFFFC0];
	v9 =	vmul.f32 v9, v9;
	v62 =	vmul.f32 v10, v10;
	v10 =	vnsel vm15, $0x0, v4  }
0x195: {  	v7 =	vnsel vm2, $0x0, v7;
	v2 =	vld [tilespmem:s30+$0xFFFFFFE0];
	v63 =	vmul.f32 v5, v5;
	v10 =	vmul.f32 v10, v10  }
0x196: {  	v11 =	vld [tilespmem:s2+$0xFFFFFFF0];
	v4 =	vmul.f32 v7, v7;
	v7 =	vadd.f32 v60, v6;
	v1 =	vadd.f32 v9, v1  }
0x197: {  	v5 =	vmul.f32 v14, v14;
	v14 =	vld [tilespmem:s2+$0xFFFFFFE0];
	v6 =	vadd.f32 v10, v17;
	v10 =	vsub.f32 v8, v15  }
0x198: {  	s31 =	simm.s32 $0x8;
	v9 =	vadd.s32 $0xFFFF7D80, v61;
	v1 =	vadd.f32 v63, v1;
	v15 =	vld [tilespmem:s2+$0xFFFFFFD0];
	v8 =	vadd.f32 v62, v16  }
.LBB2_10:
0x199: {  	s31 =	sadd.s32 $0x8, s31;
	v12 =	vadd.s32 $0xFFFF7D80, v12;
	v16 =	vld [tilespmem:s2+$0x20];
	vm3 =	vlt.u32 v9, $0x8280;
	v10 =	vnsel vm0, $0x0, v10  }
0x19a: {  	v7 =	vadd.f32 v4, v7;
	p0 =	slt.u32 s31, $0x3F8;
	v13 =	vadd.s32 $0xFFFF7D80, v13;
	vm1 =	vlt.u32 v12, $0x8280;
	v17 =	vld [tilespmem:s2+$0x10]  }
0x19b: {  	v10 =	vmul.f32 v10, v10;
	vm4 =	vlt.u32 v13, $0x8280;
	v4 =	vld [tilespmem:s30+$0xFFFFFFF0];
	v11 =	vadd.s32 $0xFFFF7D80, v11  }
0x19c: {  	v8 =	vadd.f32 v5, v8;
	v18 =	vld [tilespmem:s30+$0xFFFFFFC0];
	v14 =	vadd.s32 $0xFFFF7D80, v14;
	vm7 =	vlt.u32 v11, $0x8280  }
0x19d: {  	v6 =	vadd.f32 v10, v6;
	v5 =	vadd.s32 $0xFFFF7D80, v15;
	vm6 =	vlt.u32 v14, $0x8280;
	v15 =	vld [tilespmem:s30+$0x0]  }
0x19e: {  	vm5 =	vlt.u32 v5, $0x8280;
	v10 =	vadd.s32 $0xFFFF7D80, v16;
	v16 =	vld [tilespmem:s30+$0x30]  }
0x19f: {  	v17 =	vadd.s32 $0xFFFF7D80, v17;
	vm2 =	vlt.u32 v10, $0x8280;
	v9 =	vld.idx.msk [tilespmem:v9+s3+$0x0], vm3  }
0x1a0: {  	v12 =	vld.idx.msk [tilespmem:v12+s3+$0x0], vm1;
	vm0 =	vlt.u32 v17, $0x8280  }
0x1a1: {  	v13 =	vld.idx.msk [tilespmem:v13+s3+$0x0], vm4  }
0x1a2: {  	v11 =	vld.idx.msk [tilespmem:v11+s3+$0x0], vm7  }
0x1a3: {  	v14 =	vld.idx.msk [tilespmem:v14+s3+$0x0], vm6  }
0x1a4: {  	v5 =	vld.idx.msk [tilespmem:v5+s3+$0x0], vm5  }
0x1a5: {  	v9 =	vsub.f32 v16, v9;
	v10 =	vld.idx.msk [tilespmem:v10+s3+$0x0], vm2  }
0x1a6: {  	v12 =	vsub.f32 v15, v12;
	v15 =	vld.idx.msk [tilespmem:v17+s3+$0x0], vm0  }
0x1a7: {  	v13 =	vsub.f32 v18, v13;
	v9 =	vnsel vm3, $0x0, v9;
	v16 =	vld [tilespmem:s30+$0x10];
	s30 =	sadd.s32 $0x80, s30  }
0x1a8: {  	v4 =	vsub.f32 v4, v11;
	v11 =	vnsel vm1, $0x0, v12;
	v17 =	vld [tilespmem:s30+$0x20]  }
0x1a9: {  	v12 =	vnsel vm4, $0x0, v13;
	v13 =	vsub.f32 v2, v14;
	v18 =	vld [tilespmem:s30+$0xFFFFFFD0]  }
0x1aa: {  	s2 =	sadd.s32 $0x80, s2;
	v14 =	vmul.f32 v12, v12;
	v3 =	vsub.f32 v3, v5;
	v4 =	vnsel vm7, $0x0, v4;
	v2 =	vld [tilespmem:s30+$0xFFFFFFE0]  }
0x1ab: {  	v5 =	vnsel vm6, $0x0, v13;
	v20 =	vmul.f32 v4, v4;
	v22 =	vsub.f32 v0, v10;
	v19 =	vld [tilespmem:s2+$0x30]  }
.Ltmp4:
0x1ac: {  	v4 =	vmul.f32 v11, v11;
	v23 =	vnsel vm5, $0x0, v3;
	v10 =	vmul.f32 v5, v5;
	v12 =	vld [tilespmem:s2+$0x0];
	(pc) =	sbr.rel @p0 .LBB2_10-.Ltmp4, $4  }
0x1ad: {  	v5 =	vmul.f32 v9, v9;
	v21 =	vmul.f32 v23, v23;
	v22 =	vnsel vm2, $0x0, v22;
	v13 =	vld [tilespmem:s2+$0xFFFFFFC0];
	v0 =	vmovc v17  }
0x1ae: {  	v7 =	vadd.f32 v14, v7;
	v1 =	vadd.f32 v10, v1;
	v17 =	vmul.f32 v22, v22;
	v11 =	vld [tilespmem:s2+$0xFFFFFFF0];
	v3 =	vmovc v18  }
0x1af: {  	v10 =	vsub.f32 v16, v15;
	v6 =	vadd.f32 v21, v6;
	v14 =	vld [tilespmem:s2+$0xFFFFFFE0]  }
0x1b0: {  	v8 =	vadd.f32 v20, v8;
	v1 =	vadd.f32 v17, v1;
	v15 =	vld [tilespmem:s2+$0xFFFFFFD0];
	v9 =	vadd.s32 $0xFFFF7D80, v19  }
0x1b1: {  	v16 =	vld [tilespmem:s2+$0x20]  }
0x1b2: {  	v12 =	vadd.s32 $0xFFFF7D80, v12;
	vm5 =	vlt.u32 v9, $0x8280;
	v17 =	vld [tilespmem:s2+$0x10]  }
0x1b3: {  	v18 =	vld [tilespmem:s30+$0xFFFFFFF0];
	v13 =	vadd.s32 $0xFFFF7D80, v13;
	vm3 =	vlt.u32 v12, $0x8280  }
0x1b4: {  	v19 =	vld [tilespmem:s30+$0xFFFFFFC0];
	vm6 =	vlt.u32 v13, $0x8280;
	v11 =	vadd.s32 $0xFFFF7D80, v11  }
0x1b5: {  	v20 =	vld [tilespmem:s30+$0x0];
	v14 =	vadd.s32 $0xFFFF7D80, v14;
	vm7 =	vlt.u32 v11, $0x8280  }
0x1b6: {  	v21 =	vld [tilespmem:s30+$0x30];
	v15 =	vadd.s32 $0xFFFF7D80, v15;
	vm8 =	vlt.u32 v14, $0x8280  }
0x1b7: {  	v22 =	vld [tilespmem:s30+$0x10];
	vm2 =	vlt.u32 v15, $0x8280;
	v16 =	vadd.s32 $0xFFFF7D80, v16  }
0x1b8: {  	v17 =	vadd.s32 $0xFFFF7D80, v17;
	vm4 =	vlt.u32 v16, $0x8280;
	v9 =	vld.idx.msk [tilespmem:v9+s3+$0x0], vm5  }
0x1b9: {  	vm1 =	vlt.u32 v17, $0x8280;
	v12 =	vld.idx.msk [tilespmem:v12+s3+$0x0], vm3  }
0x1ba: {  	v13 =	vld.idx.msk [tilespmem:v13+s3+$0x0], vm6  }
0x1bb: {  	v11 =	vld.idx.msk [tilespmem:v11+s3+$0x0], vm7  }
0x1bc: {  	v14 =	vld.idx.msk [tilespmem:v14+s3+$0x0], vm8  }
0x1bd: {  	v15 =	vld.idx.msk [tilespmem:v15+s3+$0x0], vm2  }
0x1be: {  	v16 =	vld.idx.msk [tilespmem:v16+s3+$0x0], vm4  }
0x1bf: {  	v17 =	vld.idx.msk [tilespmem:v17+s3+$0x0], vm1;
	_ =	swait.ge [sflag:s23], $0x8180  }
0x1c0: {  	[sflag:s23] =	ssyncset.done $0x0  }
0x1c1: {  	[sflag:s23] =	ssyncadd.s32 $0xFFFF7E80  }
0x1c2: {  	[tilespmem:s25], [sflag:$0x4] =	stream.linear.gather [hbm4b:s13+s3], $0x80, $0x38;
	[tilespmem:$0x1C600] =	vst v63  }
0x1c3: {  	_ =	swait.ge [sflag:s26], $0x80  }
0x1c4: {  	v10 =	vnsel vm0, $0x0, v10;
	[sflag:s26] =	ssyncset.done $0x0  }
0x1c5: {  	s30 =	simm.s32 $0x185C0;
	v10 =	vmul.f32 v10, v10;
	[sflag:s26] =	ssyncadd.s32 $0xFFFFFF80  }
0x1c6: {  	v23 =	vld [tilespmem:s30+$0x0]  }
0x1c7: {  	v5 =	vadd.f32 v5, v8;
	v8 =	vadd.f32 v10, v6;
	v24 =	vld [tilespmem:s30+$0x30]  }
0x1c8: {  	v6 =	vsub.f32 v21, v9;
	v9 =	vsub.f32 v20, v12;
	v25 =	vld [tilespmem:s30+$0xFFFFFFE0]  }
0x1c9: {  	v4 =	vadd.f32 v4, v7;
	s2 =	simm.s32 $0x145C0;
	v13 =	vsub.f32 v19, v13;
	v26 =	vld [tilespmem:s30+$0xFFFFFFF0]  }
0x1ca: {  	v21 =	vnsel vm5, $0x0, v6;
	v11 =	vsub.f32 v18, v11;
	v9 =	vnsel vm3, $0x0, v9;
	v7 =	vld [tilespmem:s2+$0xFFFFFFD0]  }
0x1cb: {  	v21 =	vmul.f32 v21, v21;
	v13 =	vnsel vm6, $0x0, v13;
	v2 =	vsub.f32 v2, v14;
	v10 =	vld [tilespmem:s30+$0x10]  }
0x1cc: {  	v13 =	vmul.f32 v13, v13;
	v3 =	vsub.f32 v3, v15;
	v11 =	vnsel vm7, $0x0, v11;
	v19 =	vld [tilespmem:s2+$0xFFFFFFF0]  }
0x1cd: {  	v2 =	vnsel vm8, $0x0, v2;
	v18 =	vmul.f32 v11, v11;
	v0 =	vsub.f32 v0, v16;
	v6 =	vld [tilespmem:s2+$0xFFFFFFC0]  }
0x1ce: {  	v3 =	vnsel vm2, $0x0, v3;
	v2 =	vmul.f32 v2, v2;
	v14 =	vld [tilespmem:s30+$0x20];
	v12 =	vadd.s32 $0xFFFEFB00, v23  }
0x1cf: {  	v4 =	vadd.f32 v13, v4;
	v15 =	vld [tilespmem:s30+$0xFFFFFFD0];
	v20 =	vadd.s32 $0xFFFEFB00, v24;
	vm0 =	vlt.u32 v12, $0x8180  }
0x1d0: {  	v13 =	vsub.f32 v22, v17;
	v28 =	vld [tilespmem:s2+$0x0];
	v27 =	vadd.s32 $0xFFFEFB00, v10;
	vm5 =	vlt.u32 v20, $0x8180  }
0x1d1: {  	v11 =	vld [tilespmem:s2+$0xFFFFFFE0];
	v3 =	vmul.f32 v3, v3;
	v10 =	vadd.s32 $0xFFFE7980, v10;
	vm10 =	vlt.u32 v27, $0x8180  }
0x1d2: {  	v30 =	vld [tilespmem:s2+$0x30];
	v16 =	vadd.s32 $0xFFFE7980, v23;
	v23 =	vadd.s32 $0xFFFE7980, v24;
	vm9 =	vlt.u32 v10, $0x20  }
0x1d3: {  	v0 =	vnsel vm4, $0x0, v0;
	v32 =	vld [tilespmem:s2+$0x10];
	v29 =	vadd.s32 $0xFFFE7980, v26;
	vm12 =	vlt.u32 v23, $0x20  }
0x1d4: {  	v1 =	vadd.f32 v2, v1;
	v24 =	vld [tilespmem:s30+$0xFFFFFFC0];
	v26 =	vadd.s32 $0xFFFEFB00, v26;
	vm3 =	vlt.u32 v29, $0x20  }
0x1d5: {  	v0 =	vmul.f32 v0, v0;
	v33 =	vadd.s32 $0xFFFEFB00, v25;
	vm11 =	vlt.u32 v26, $0x8180;
	v12 =	vld.idx.msk [tilespmem:v12+s22+$0x0], vm0  }
0x1d6: {  	v3 =	vadd.f32 v3, v8;
	v8 =	vadd.s32 $0xFFFEFB00, v15;
	vm13 =	vlt.u32 v33, $0x8180;
	v20 =	vld.idx.msk [tilespmem:v20+s22+$0x0], vm5  }
0x1d7: {  	v9 =	vmul.f32 v9, v9;
	v13 =	vnsel vm1, $0x0, v13;
	vm14 =	vlt.u32 v8, $0x8180;
	v27 =	vld.idx.msk [tilespmem:v27+s22+$0x0], vm10  }
0x1d8: {  	v22 =	vadd.f32 v0, v1;
	v31 =	vadd.s32 $0xFFFEFB00, v14;
	vm2 =	vlt.u32 v16, $0x20;
	v10 =	vld.idx.msk [tilespmem:v10+s25+$0x0], vm9  }
0x1d9: {  	v0 =	vmul.f32 v13, v13;
	v13 =	vadd.s32 $0xFFFE7980, v14;
	vm7 =	vlt.u32 v31, $0x8180;
	v17 =	vld.idx.msk [tilespmem:v23+s25+$0x0], vm12  }
0x1da: {  	v5 =	vadd.f32 v18, v5;
	v15 =	vadd.s32 $0xFFFE7980, v15;
	vm8 =	vlt.u32 v13, $0x20;
	v18 =	vld.idx.msk [tilespmem:v29+s25+$0x0], vm3  }
0x1db: {  	vm1 =	vlt.u32 v15, $0x20;
	v14 =	vld.idx.msk [tilespmem:v26+s22+$0x0], vm11;
	v23 =	vadd.f32 v9, v4  }
0x1dc: {  	v9 =	vadd.f32 v21, v5;
	v21 =	vadd.f32 v0, v3;
	v3 =	vld.idx.msk [tilespmem:v33+s22+$0x0], vm13  }
0x1dd: {  	v8 =	vld.idx.msk [tilespmem:v8+s22+$0x0], vm14  }
0x1de: {  	v2 =	vld.idx.msk [tilespmem:v16+s25+$0x0], vm2;
	v16 =	vadd.s32 $0xFFFEFB00, v24;
	v0 =	vsub.f32 v28, v12  }
0x1df: {  	v4 =	vld.idx.msk [tilespmem:v31+s22+$0x0], vm7;
	vm15 =	vlt.u32 v16, $0x8180;
	v1 =	vsub.f32 v30, v20;
	v5 =	vsub.f32 v32, v27  }
0x1e0: {  	v13 =	vld.idx.msk [tilespmem:v13+s25+$0x0], vm8;
	v12 =	vadd.s32 $0xFFFE7980, v24;
	v17 =	vsub.f32 v30, v17;
	v10 =	vsub.f32 v32, v10  }
0x1e1: {  	v15 =	vld.idx.msk [tilespmem:v15+s25+$0x0], vm1;
	v24 =	vadd.s32 $0xFFFE7980, v25;
	v14 =	vsub.f32 v19, v14;
	v3 =	vsub.f32 v11, v3  }
0x1e2: {  	v20 =	vld [tilespmem:s2+$0x20];
	s2 =	simm.s32 $0x18640;
	v8 =	vsub.f32 v7, v8;
	v18 =	vsub.f32 v19, v18;
	vm6 =	vlt.u32 v12, $0x20  }
0x1e3: {  	vm4 =	vlt.u32 v24, $0x20;
	v26 =	vld [tilespmem:s2+$0x30];
	v25 =	vnsel vm5, $0x0, v1;
	v1 =	vnsel vm10, $0x0, v5  }
0x1e4: {  	v27 =	vld [tilespmem:s2+$0x0];
	v0 =	vnsel vm0, $0x0, v0;
	v17 =	vnsel vm12, $0x0, v17;
	v3 =	vnsel vm13, $0x0, v3  }
0x1e5: {  	v60 =	vld [tilespmem:s2+$0xFFFFFFE0];
	v1 =	vmul.f32 v1, v1;
	v5 =	vmul.f32 v0, v0;
	v0 =	vsub.f32 v28, v2  }
0x1e6: {  	v19 =	vld [tilespmem:s2+$0x10];
	v2 =	vnsel vm9, $0x0, v10;
	v29 =	vmul.f32 v3, v3;
	v25 =	vmul.f32 v25, v25  }
0x1e7: {  	s30 =	simm.s32 $0x14640;
	v16 =	vld.idx.msk [tilespmem:v16+s22+$0x0], vm15;
	v10 =	vnsel vm11, $0x0, v14;
	v39 =	vmul.f32 v17, v17;
	v2 =	vmul.f32 v2, v2  }
0x1e8: {  	v3 =	vld [tilespmem:s30+$0xFFFFFFF0];
	v10 =	vmul.f32 v10, v10;
	v4 =	vsub.f32 v20, v4;
	v28 =	vnsel vm2, $0x0, v0  }
0x1e9: {  	v17 =	vld [tilespmem:s2+$0xFFFFFFC0];
	v13 =	vsub.f32 v20, v13;
	v20 =	vnsel vm14, $0x0, v8;
	v8 =	vnsel vm3, $0x0, v18  }
0x1ea: {  	v22 =	vadd.f32 v29, v22;
	v31 =	vadd.s32 $0xFFFEFB00, v26;
	v34 =	vadd.s32 $0xFFFE7980, v26;
	v26 =	vld [tilespmem:s2+$0x20]  }
0x1eb: {  	v30 =	vadd.s32 $0xFFFEFB00, v27;
	v29 =	vmul.f32 v8, v8;
	v36 =	vadd.f32 v10, v9;
	v12 =	vld.idx.msk [tilespmem:v12+s25+$0x0], vm6  }
0x1ec: {  	v8 =	vmul.f32 v28, v28;
	v37 =	vadd.s32 $0xFFFEFB00, v19;
	v14 =	vsub.f32 v6, v16;
	v16 =	vld [tilespmem:s2+$0xFFFFFFF0]  }
0x1ed: {  	v0 =	vld [tilespmem:s30+$0xFFFFFFD0];
	v38 =	vadd.s32 $0xFFFE7980, v19;
	v42 =	vadd.s32 $0xFFFEFB00, v60;
	v18 =	vnsel vm7, $0x0, v4  }
0x1ee: {  	vm0 =	vlt.u32 v30, $0x8180;
	v24 =	vld.idx.msk [tilespmem:v24+s25+$0x0], vm4;
	vm11 =	vlt.u32 v37, $0x8180;
	vm7 =	vlt.u32 v38, $0x20  }
0x1ef: {  	v28 =	vld [tilespmem:s2+$0xFFFFFFD0];
	vm12 =	vlt.u32 v34, $0x20;
	vm13 =	vlt.u32 v42, $0x8180;
	v14 =	vnsel vm15, $0x0, v14  }
0x1f0: {  	v9 =	vld [tilespmem:s30+$0x0];
	v35 =	vmul.f32 v18, v18;
	vm15 =	vlt.u32 v31, $0x8180;
	v14 =	vmul.f32 v14, v14  }
0x1f1: {  	v19 =	vld [tilespmem:s30+$0x10];
	v40 =	vadd.s32 $0xFFFEFB00, v26;
	v61 =	vadd.s32 $0xFFFEFB00, v16;
	v12 =	vsub.f32 v6, v12  }
0x1f2: {  	v4 =	vld [tilespmem:s30+$0xFFFFFFC0];
	v6 =	vnsel vm8, $0x0, v13;
	v13 =	vadd.s32 $0xFFFE7980, v27;
	v14 =	vadd.f32 v14, v23  }
0x1f3: {  	v18 =	vld [tilespmem:s30+$0x30];
	v27 =	vmul.f32 v20, v20;
	v11 =	vsub.f32 v11, v24;
	vm9 =	vlt.u32 v40, $0x8180  }
0x1f4: {  	v10 =	vmul.f32 v6, v6;
	v6 =	vld [tilespmem:s30+$0xFFFFFFE0];
	vm5 =	vlt.u32 v61, $0x8180;
	vm2 =	vlt.u32 v13, $0x20  }
0x1f5: {  	v23 =	vld.idx.msk [tilespmem:v30+s22+$0x0], vm0;
	v30 =	vadd.s32 $0xFFFE7980, v16;
	v16 =	vsub.f32 v7, v15;
	v15 =	vadd.s32 $0xFFFEFB00, v28  }
0x1f6: {  	v7 =	vadd.s32 $0xFFFE7980, v28;
	v37 =	vld.idx.msk [tilespmem:v37+s22+$0x0], vm11;
	v28 =	vadd.f32 v29, v36;
	vm3 =	vlt.u32 v30, $0x20  }
0x1f7: {  	v29 =	vld.idx.msk [tilespmem:v34+s25+$0x0], vm12;
	v12 =	vnsel vm6, $0x0, v12;
	v11 =	vnsel vm4, $0x0, v11;
	vm6 =	vlt.u32 v15, $0x8180  }
0x1f8: {  	v21 =	vadd.f32 v27, v21;
	v41 =	vld.idx.msk [tilespmem:v31+s22+$0x0], vm15;
	v24 =	vnsel vm1, $0x0, v16;
	v16 =	vadd.s32 $0xFFFE7980, v26  }
0x1f9: {  	v26 =	vadd.s32 $0xFFFEFB00, v17;
	v12 =	vmul.f32 v12, v12;
	v63 =	vadd.f32 v25, v28;
	v25 =	vld.idx.msk [tilespmem:v42+s22+$0x0], vm13  }
0x1fa: {  	v11 =	vmul.f32 v11, v11;
	v62 =	vmul.f32 v24, v24;
	v24 =	vld.idx.msk [tilespmem:v38+s25+$0x0], vm7;
	vm14 =	vlt.u32 v26, $0x8180  }
0x1fb: {  	v17 =	vadd.s32 $0xFFFE7980, v17;
	vm1 =	vlt.u32 v7, $0x20;
	v31 =	vadd.f32 v12, v14;
	v20 =	vld.idx.msk [tilespmem:v13+s25+$0x0], vm2  }
0x1fc: {  	vm8 =	vlt.u32 v16, $0x20;
	v12 =	vadd.f32 v11, v22;
	v11 =	vadd.f32 v39, v63;
	v13 =	vld.idx.msk [tilespmem:v30+s25+$0x0], vm3  }
0x1fd: {  	vm4 =	vlt.u32 v17, $0x20;
	v23 =	vsub.f32 v9, v23;
	v30 =	vld.idx.msk [tilespmem:v61+s22+$0x0], vm5;
	v22 =	vsub.f32 v18, v41  }
0x1fe: {  	v14 =	vadd.s32 $0xFFFE7980, v60;
	v27 =	vld.idx.msk [tilespmem:v40+s22+$0x0], vm9;
	v28 =	vadd.f32 v62, v21;
	v32 =	vsub.f32 v19, v37  }
0x1ff: {  	s31 =	simm.s32 $0x8;
	s2 =	simm.s32 $0x186C0;
	vm10 =	vlt.u32 v14, $0x20;
	v21 =	vld [tilespmem:s30+$0x20];
	v12 =	vadd.f32 v35, v12;
	v22 =	vnsel vm15, $0x0, v22  }
.LBB2_12:
0x200: {  	s31 =	sadd.s32 $0x8, s31;
	v26 =	vld.idx.msk [tilespmem:v26+s22+$0x0], vm14;
	v32 =	vnsel vm11, $0x0, v32;
	v18 =	vsub.f32 v18, v29;
	s30 =	sadd.s32 $0x80, s30;
	v5 =	vadd.f32 v5, v31  }
0x201: {  	v19 =	vsub.f32 v19, v24;
	p0 =	slt.u32 s31, $0x3F8;
	v15 =	vld.idx.msk [tilespmem:v15+s22+$0x0], vm6;
	v29 =	vmul.f32 v32, v32;
	v10 =	vadd.f32 v10, v12  }
0x202: {  	v30 =	vsub.f32 v3, v30;
	v12 =	vnsel vm0, $0x0, v23;
	v24 =	vld [tilespmem:s2+$0x30];
	v23 =	vadd.f32 v8, v5  }
0x203: {  	v5 =	vmul.f32 v12, v12;
	v8 =	vsub.f32 v9, v20;
	v9 =	vld.idx.msk [tilespmem:v16+s25+$0x0], vm8;
	v16 =	vnsel vm12, $0x0, v18  }
0x204: {  	v19 =	vnsel vm7, $0x0, v19;
	v18 =	vld [tilespmem:s2+$0x0];
	v20 =	vsub.f32 v21, v27;
	v27 =	vadd.f32 v1, v28;
	v1 =	vmovc v29  }
0x205: {  	v25 =	vsub.f32 v6, v25;
	v19 =	vmul.f32 v19, v19;
	v28 =	vnsel vm5, $0x0, v30;
	v12 =	vld [tilespmem:s2+$0xFFFFFFE0]  }
0x206: {  	v26 =	vsub.f32 v4, v26;
	v28 =	vmul.f32 v28, v28;
	v17 =	vld.idx.msk [tilespmem:v17+s25+$0x0], vm4;
	v27 =	vadd.f32 v2, v27  }
0x207: {  	v8 =	vnsel vm2, $0x0, v8;
	v25 =	vnsel vm13, $0x0, v25;
	v15 =	vsub.f32 v0, v15;
	v2 =	vmovc v19;
	v29 =	vld [tilespmem:s2+$0xFFFFFFF0]  }
0x208: {  	v13 =	vsub.f32 v3, v13;
	v25 =	vmul.f32 v25, v25;
	v26 =	vnsel vm14, $0x0, v26;
	v19 =	vld [tilespmem:s30+$0xFFFFFFD0]  }
0x209: {  	v26 =	vmul.f32 v26, v26;
	v9 =	vsub.f32 v21, v9;
	v21 =	vmul.f32 v22, v22;
	v3 =	vld [tilespmem:s30+$0xFFFFFFF0]  }
0x20a: {  	v13 =	vnsel vm3, $0x0, v13;
	v20 =	vnsel vm9, $0x0, v20;
	v15 =	vnsel vm6, $0x0, v15;
	v22 =	vld [tilespmem:s2+$0x10]  }
0x20b: {  	v32 =	vadd.s32 $0xFFFEFB00, v24;
	v25 =	vadd.f32 v25, v10;
	v31 =	vadd.s32 $0xFFFEFB00, v18;
	v30 =	vld [tilespmem:s30+$0xFFFFFFC0]  }
0x20c: {  	v13 =	vmul.f32 v13, v13;
	vm15 =	vlt.u32 v32, $0x8180;
	vm0 =	vlt.u32 v31, $0x8180;
	v7 =	vld.idx.msk [tilespmem:v7+s25+$0x0], vm1  }
0x20d: {  	v34 =	vadd.s32 $0xFFFE7980, v24;
	v35 =	vmul.f32 v20, v20;
	v33 =	vadd.s32 $0xFFFEFB00, v29;
	v14 =	vld.idx.msk [tilespmem:v14+s25+$0x0], vm10  }
0x20e: {  	v8 =	vmul.f32 v8, v8;
	v11 =	vadd.f32 v28, v11;
	v17 =	vsub.f32 v4, v17;
	v24 =	vld [tilespmem:s2+$0x20]  }
0x20f: {  	v36 =	vnsel vm8, $0x0, v9;
	v20 =	vld [tilespmem:s2+$0xFFFFFFD0];
	v28 =	vadd.s32 $0xFFFEFB00, v22;
	v22 =	vadd.s32 $0xFFFE7980, v22  }
0x210: {  	v10 =	vmul.f32 v36, v36;
	v9 =	vld [tilespmem:s30+$0x0];
	vm11 =	vlt.u32 v28, $0x8180;
	vm7 =	vlt.u32 v22, $0x20;
	v4 =	vmovc v30  }
0x211: {  	v37 =	vadd.f32 v26, v23;
	v36 =	vadd.s32 $0xFFFE7980, v18;
	vm5 =	vlt.u32 v33, $0x8180;
	v30 =	vld [tilespmem:s30+$0xFFFFFFE0]  }
0x212: {  	v38 =	vmul.f32 v16, v16;
	vm2 =	vlt.u32 v36, $0x20;
	v23 =	vld.idx.msk [tilespmem:v31+s22+$0x0], vm0;
	v31 =	vmul.f32 v15, v15  }
0x213: {  	v17 =	vnsel vm4, $0x0, v17;
	v26 =	vsub.f32 v6, v14;
	v39 =	vadd.s32 $0xFFFEFB00, v24;
	v32 =	vld.idx.msk [tilespmem:v32+s22+$0x0], vm15  }
0x214: {  	vm12 =	vlt.u32 v34, $0x20;
	v40 =	vadd.s32 $0xFFFE7980, v29;
	v16 =	vsub.f32 v0, v7;
	v0 =	vmovc v19;
	v14 =	vld [tilespmem:s2+$0xFFFFFFC0]  }
0x215: {  	vm3 =	vlt.u32 v40, $0x20;
	v15 =	vadd.s32 $0xFFFEFB00, v20;
	v29 =	vnsel vm10, $0x0, v26;
	v18 =	vld [tilespmem:s30+$0x30]  }
0x216: {  	v41 =	vadd.s32 $0xFFFEFB00, v12;
	v7 =	vadd.s32 $0xFFFE7980, v20;
	vm6 =	vlt.u32 v15, $0x8180;
	v19 =	vld [tilespmem:s30+$0x10];
	v6 =	vmovc v30  }
0x217: {  	v11 =	vadd.f32 v13, v11;
	vm9 =	vlt.u32 v39, $0x8180;
	v26 =	vnsel vm1, $0x0, v16;
	v42 =	vld.idx.msk [tilespmem:v28+s22+$0x0], vm11  }
0x218: {  	vm13 =	vlt.u32 v41, $0x8180;
	v16 =	vadd.s32 $0xFFFE7980, v24;
	v28 =	vmul.f32 v26, v26;
	v20 =	vld.idx.msk [tilespmem:v36+s25+$0x0], vm2  }
0x219: {  	v23 =	vsub.f32 v9, v23;
	v26 =	vadd.s32 $0xFFFEFB00, v14;
	v24 =	vld.idx.msk [tilespmem:v22+s25+$0x0], vm7;
	v22 =	vmul.f32 v29, v29  }
0x21a: {  	v11 =	vadd.f32 v21, v11;
	vm14 =	vlt.u32 v26, $0x8180;
	v29 =	vld.idx.msk [tilespmem:v34+s25+$0x0], vm12;
	v34 =	vmul.f32 v17, v17  }
.Ltmp5:
0x21b: {  	vm8 =	vlt.u32 v16, $0x20;
	v17 =	vadd.s32 $0xFFFE7980, v14;
	v14 =	vadd.f32 v31, v27;
	v13 =	vld.idx.msk [tilespmem:v40+s25+$0x0], vm3;
	(pc) =	sbr.rel @p0 .LBB2_12-.Ltmp5, $4  }
0x21c: {  	vm4 =	vlt.u32 v17, $0x20;
	v30 =	vld.idx.msk [tilespmem:v33+s22+$0x0], vm5;
	v31 =	vadd.f32 v34, v37;
	v33 =	vadd.f32 v22, v25  }
0x21d: {  	vm1 =	vlt.u32 v7, $0x20;
	v22 =	vsub.f32 v18, v32;
	v28 =	vadd.f32 v28, v14;
	v27 =	vld.idx.msk [tilespmem:v39+s22+$0x0], vm9  }
0x21e: {  	v11 =	vadd.f32 v38, v11;
	v14 =	vadd.s32 $0xFFFE7980, v12;
	v32 =	vsub.f32 v19, v42;
	v25 =	vld.idx.msk [tilespmem:v41+s22+$0x0], vm13  }
0x21f: {  	s2 =	sadd.s32 $0x80, s2;
	vm10 =	vlt.u32 v14, $0x20;
	v22 =	vnsel vm15, $0x0, v22;
	v12 =	vadd.f32 v35, v33;
	v21 =	vld [tilespmem:s30+$0x20]  }
0x220: {  	_ =	sdelay $0x3  }
0x221: {  	v18 =	vsub.f32 v18, v29  }
0x222: {  	v32 =	vnsel vm11, $0x0, v32;
	v26 =	vld.idx.msk [tilespmem:v26+s22+$0x0], vm14;
	v5 =	vadd.f32 v5, v31;
	v19 =	vsub.f32 v19, v24  }
0x223: {  	v15 =	vld.idx.msk [tilespmem:v15+s22+$0x0], vm6;
	v42 =	vnsel vm0, $0x0, v23;
	v9 =	vsub.f32 v9, v20;
	v1 =	vadd.f32 v1, v28  }
0x224: {  	v16 =	vld.idx.msk [tilespmem:v16+s25+$0x0], vm8;
	v52 =	vsub.f32 v3, v13;
	v54 =	vmul.f32 v22, v22;
	v41 =	vmul.f32 v32, v32  }
0x225: {  	v17 =	vld.idx.msk [tilespmem:v17+s25+$0x0], vm4;
	v10 =	vadd.f32 v10, v12;
	v43 =	vsub.f32 v3, v30;
	v44 =	vmul.f32 v42, v42  }
0x226: {  	v14 =	vld.idx.msk [tilespmem:v14+s25+$0x0], vm10;
	v5 =	vadd.f32 v8, v5;
	v45 =	vnsel vm12, $0x0, v18;
	v19 =	vnsel vm7, $0x0, v19  }
0x227: {  	v7 =	vld.idx.msk [tilespmem:v7+s25+$0x0], vm1;
	v1 =	vadd.f32 v2, v1;
	v9 =	vnsel vm2, $0x0, v9;
	v3 =	vnsel vm3, $0x0, v52  }
0x228: {  	v47 =	vsub.f32 v6, v25;
	v23 =	vnsel vm5, $0x0, v43;
	v19 =	vmul.f32 v19, v19  }
0x229: {  	v3 =	vmul.f32 v3, v3;
	v60 =	vmul.f32 v45, v45;
	v46 =	vsub.f32 v21, v27  }
0x22a: {  	v23 =	vmul.f32 v23, v23;
	v48 =	vsub.f32 v4, v26;
	v49 =	vsub.f32 v0, v15  }
0x22b: {  	v50 =	vnsel vm13, $0x0, v47;
	v16 =	vsub.f32 v21, v16;
	v55 =	vsub.f32 v4, v17  }
0x22c: {  	v56 =	vsub.f32 v6, v14;
	v58 =	vsub.f32 v0, v7;
	v15 =	vmul.f32 v50, v50  }
0x22d: {  	v18 =	vnsel vm9, $0x0, v46;
	v11 =	vadd.f32 v23, v11;
	v51 =	vnsel vm14, $0x0, v48  }
0x22e: {  	v2 =	vnsel vm6, $0x0, v49;
	v6 =	vnsel vm10, $0x0, v56;
	v4 =	vnsel vm4, $0x0, v55  }
0x22f: {  	v0 =	vnsel vm1, $0x0, v58;
	v53 =	vmul.f32 v51, v51;
	v2 =	vmul.f32 v2, v2  }
0x230: {  	v10 =	vadd.f32 v15, v10;
	v6 =	vmul.f32 v6, v6;
	v0 =	vmul.f32 v0, v0  }
0x231: {  	v4 =	vmul.f32 v4, v4;
	v5 =	vadd.f32 v53, v5;
	v1 =	vadd.f32 v2, v1  }
0x232: {  	v57 =	vmul.f32 v18, v18;
	v3 =	vadd.f32 v3, v11;
	v6 =	vadd.f32 v6, v10  }
0x233: {  	v59 =	vnsel vm8, $0x0, v16;
	v4 =	vadd.f32 v4, v5;
	v0 =	vadd.f32 v0, v1  }
0x234: {  	v2 =	vmul.f32 v59, v59;
	v3 =	vadd.f32 v54, v3;
	v61 =	vadd.f32 v57, v6  }
0x235: {  	v62 =	vmul.f32 v9, v9;
	v4 =	vadd.f32 v44, v4;
	v0 =	vadd.f32 v41, v0  }
0x236: {  	v1 =	vadd.f32 v60, v3;
	v2 =	vadd.f32 v2, v61  }
0x237: {  	v63 =	vadd.f32 v62, v4;
	v0 =	vadd.f32 v19, v0;
	_ =	sdelay $0x1  }
0x238: {  	v1 =	vadd.f32 v1, v2;
	v0 =	vadd.f32 v0, v63;
	_ =	sdelay $0x1  }
0x239: {  	v0 =	vadd.f32 v1, v0;
	_ =	sdelay $0x1  }
0x23a: {  	s29 =	sadd.s32 $0x1, s29;
	v0 =	vmul.f32 $6.103515910e-08, v0  }
0x23b: {  	p0 =	sne.s32 s29, s15  }
.Ltmp6:
0x23c: {  	[tilespmem:$0x1C580] =	vst v0;
	(pc) =	sbr.rel @p0 .LBB2_1-.Ltmp6, $4  }
0x23d: {  	[hbm4b:s14+s3] =	stream.linear.scatter [tilespmem:s28], [sflag:$0x4], $0x10, $0x38;
	[tilespmem:$0x1C600] =	vst v63  }
0x23e: {  	_ =	swait.ge [sflag:s26], $0x10  }
0x23f: {  	[sflag:s26] =	ssyncset.done $0x0  }
0x240: {  	[sflag:s26] =	ssyncadd.s32 $0xFFFFFFF0  }
0x241: {  	_ =	sfence.sel $0x180000  }
0x242: {  	[bflag:$0x0] =	sbarrier.arrive $0xFFFF  }
0x243: {  	_ =	strace $0x90000047  }
0x244: {  	[bflag:$0x2] =	sbarrier.arrive $0xFFFF  }
0x245: {  	p0 =	sne.s32 s0, $0x0;
	s0 =	rddreg [dreg:$0x4]  }
0x246: {  	s0 =	sadd.s32 @!p0 $0x100000, s0  }
0x247: {  	[sflag:s0] =	ssyncadd.tile.s32 @!p0 $0x1;
	_ =	shalt  }
.Lfunc_end2:
_tile_overlayer_lowered:
.L_overlay_start_2:
0x248: {  	(tag) =	ssettag $0x2  }
0x249: {  	s0 =	rddreg [dreg:$0x0];
	s2 =	stileid.u32  }
0x24a: {  	s1 =	rddreg [dreg:$0x1];
	p0 =	sne.s32 s2, $0x0  }
0x24b: {  	s3 =	rddreg [dreg:$0x2];
	[bflag:$0x3] =	sbarrier.arrive $0xFFFF;
	s2 =	simm.s32 @!p0 $0x1C04  }
0x24c: {  	[timem:s3], [sflag:s2] =	dma.local @!p0 [hbm:s0], s1  }
0x24d: {  	s0 =	simm.s32 @!p0 $0x4  }
0x24e: {  	_ =	swait.ge @!p0 [sflag:s0], s1  }
0x24f: {  	s1 =	ssub.s32 @!p0 $0x0, s1;
	[sflag:s0] =	ssyncset.done @!p0 $0x0  }
0x250: {  	[sflag:s0] =	ssyncadd.s32 @!p0 s1  }
0x251: {  	[bflag:$0x3] =	sbarrier.arrive $0xFFFF  }
0x252: {  	_ =	shalt  }

</sc_bundles>
